<compile_context>
chip_gen: v7x
topology: tpu7x:2x2x1
jax: 0.10.2.dev20260603
libtpu: 0.0.44.dev20260713+nightly
codegen_flags: <defaults>
</compile_context>

<pallas_src>
import functools
import math

import jax
import jax.numpy as jnp
from jax import lax
from jax.experimental import pallas as pl
from jax.experimental.pallas import tpu as pltpu
from jax.experimental.pallas import tpu_sc as plsc

_NC = 2
_NS = 16
_L = 16
_NW = _NC * _NS

_BLK = 128
_UNROLL = 4


def _rsqrt(x):
    i = plsc.bitcast(x, jnp.int32)
    i = jnp.int32(0x5F3759DF) - lax.shift_right_logical(i, 1)
    y = plsc.bitcast(i, jnp.float32)
    for _ in range(3):
        y = y * (1.5 - 0.5 * x * y * y)
    return y


def _pack_table(t):
    h = t.shape[1] // 2
    u = lax.bitcast_convert_type(t.astype(jnp.bfloat16), jnp.uint16)
    w = u[:, :h].astype(jnp.uint32) | (u[:, h:].astype(jnp.uint32) << 16)
    return lax.bitcast_convert_type(w, jnp.int32)


def _make_kernel(n_tokens, seq_len, d):
    assert d == 128
    dp = d // 2
    per_w = n_tokens // _NW
    n_blocks = per_w // _BLK
    assert per_w % _BLK == 0 and n_blocks % 2 == 0
    scale = math.sqrt(float(d))
    groups = _BLK // _L
    chunks = d // _L

    mesh = plsc.VectorSubcoreMesh(core_axis_name="c", subcore_axis_name="s")

    @functools.partial(
        pl.kernel,
        mesh=mesh,
        out_type=jax.ShapeDtypeStruct((n_tokens, d), jnp.float32),
        compiler_params=pltpu.CompilerParams(needs_layout_passes=False),
        scratch_types=[
            pltpu.VMEM((75, dp), jnp.int32),
            pltpu.VMEM((48, dp), jnp.int32),
            pltpu.VMEM((48, dp), jnp.int32),
            pltpu.VMEM((seq_len, dp), jnp.int32),
            pltpu.VMEM((128,), jnp.float32),
            pltpu.VMEM((128,), jnp.float32),
            pltpu.VMEM((per_w,), jnp.int32),
            pltpu.VMEM((per_w,), jnp.int32),
            pltpu.VMEM((_BLK, 128), jnp.float32),
            pltpu.VMEM((_BLK, 128), jnp.float32),
            pltpu.VMEM((_BLK,), jnp.float32),
            pltpu.VMEM((_BLK,), jnp.float32),
            pltpu.VMEM((_BLK, 128), jnp.float32),
            pltpu.VMEM((_BLK, 128), jnp.float32),
            pltpu.SemaphoreType.DMA,
            pltpu.SemaphoreType.DMA,
            pltpu.SemaphoreType.DMA,
            pltpu.SemaphoreType.DMA,
        ],
    )
    def kern(combo_ids_h, loc_ids_h,
             day_t_h, time_t_h, loc_t_h, td_t_h, pos_t_h, gamma_h, beta_h,
             out_h,
             day_v, time_v, td_v, pos_v, gamma_v, beta_v,
             combo_i, loc_i, loc_a, loc_b, mean_b, inv_b,
             out_a, out_b, gsem_a, gsem_b, osem_a, osem_b):
        wid = lax.axis_index("s") * _NC + lax.axis_index("c")
        w0 = wid * per_w

        pltpu.sync_copy(day_t_h, day_v)
        pltpu.sync_copy(time_t_h, time_v)
        pltpu.sync_copy(td_t_h, td_v)
        pltpu.sync_copy(pos_t_h, pos_v)
        pltpu.sync_copy(gamma_h, gamma_v)
        pltpu.sync_copy(beta_h, beta_v)
        pltpu.sync_copy(combo_ids_h.at[pl.ds(w0, per_w)], combo_i)
        pltpu.sync_copy(loc_ids_h.at[pl.ds(w0, per_w)], loc_i)

        lane = lax.broadcasted_iota(jnp.int32, (_L,), 0)
        col0 = jnp.zeros((_L,), jnp.int32)
        himask = jnp.int32(-65536)
        gvecs = [gamma_v[pl.ds(k * _L, _L)] for k in range(chunks)]
        bvecs = [beta_v[pl.ds(k * _L, _L)] for k in range(chunks)]

        loc_bufs = (loc_a, loc_b)
        out_bufs = (out_a, out_b)
        gsems = (gsem_a, gsem_b)
        osems = (osem_a, osem_b)

        def lo(w):
            return plsc.bitcast(lax.shift_left(w, 16), jnp.float32)

        def hi(w):
            return plsc.bitcast(w & himask, jnp.float32)

        def issue_gather(b, p):
            pltpu.async_copy(
                loc_t_h.at[loc_i.at[pl.ds(b * _BLK, _BLK)]],
                loc_bufs[p], gsems[p])

        issue_gather(0, 0)

        def do_block(b, p):
            loc_buf = loc_bufs[p]
            out_buf = out_bufs[p]

            @pl.when(b + 1 < n_blocks)
            def _():
                issue_gather(b + 1, 1 - p)

            pltpu.make_async_copy(
                loc_t_h.at[pl.ds(0, _BLK)], loc_buf, gsems[p]).wait()
            @pl.when(b >= 2)
            def _():
                pltpu.make_async_copy(
                    out_buf, out_h.at[pl.ds(0, _BLK)], osems[p]).wait()

            base = w0 + b * _BLK

            def group_body(g, _):
                t0 = g * _L
                tok = t0 + lane
                packed = combo_i[pl.ds(b * _BLK + t0, _L)]
                day_b = packed & 127
                time_b = lax.shift_right_logical(packed, 7) & 63
                td_b = lax.shift_right_logical(packed, 13)
                pos_b = lax.rem(base + tok, seq_len)

                def col_body(i, carry):
                    p0 = i * _UNROLL
                    acc = list(carry)
                    for j in range(_UNROLL):
                        cp = (lane + (p0 + j)) & (dp - 1)
                        wd = plsc.load_gather(day_v, [day_b, cp])
                        wt = plsc.load_gather(time_v, [time_b, cp])
                        wx = plsc.load_gather(td_v, [td_b, cp])
                        wp = plsc.load_gather(pos_v, [pos_b, cp])
                        le = plsc.load_gather(loc_buf, [tok, cp])
                        lh = plsc.load_gather(loc_buf, [tok, cp + dp])
                        ve = (lo(wd) + lo(wt)) + (lo(wx) + lo(wp)) \
                            + le * scale
                        vo = (hi(wd) + hi(wt)) + (hi(wx) + hi(wp)) \
                            + lh * scale
                        plsc.store_scatter(out_buf, [tok, cp], ve)
                        plsc.store_scatter(out_buf, [tok, cp + dp], vo)
                        acc[2 * j] = acc[2 * j] + (ve + vo)
                        acc[2 * j + 1] = acc[2 * j + 1] + (ve * ve + vo * vo)
                    return tuple(acc)

                zeros = jnp.zeros((_L,), jnp.float32)
                acc = lax.fori_loop(
                    0, dp // _UNROLL, col_body, (zeros,) * (2 * _UNROLL))
                s = acc[0]
                ss = acc[1]
                for j in range(1, _UNROLL):
                    s = s + acc[2 * j]
                    ss = ss + acc[2 * j + 1]

                mean = s * (1.0 / d)
                var = ss * (1.0 / d) - mean * mean
                mean_b[pl.ds(t0, _L)] = mean
                inv_b[pl.ds(t0, _L)] = _rsqrt(var + 1e-12)
                return 0

            lax.fori_loop(0, groups, group_body, 0)

            def tok_body(t, _):
                tvec = col0 + t
                m = plsc.load_gather(mean_b, [tvec])
                iv = plsc.load_gather(inv_b, [tvec])
                for k in range(chunks):
                    v = out_buf[t, pl.ds(k * _L, _L)]
                    out_buf[t, pl.ds(k * _L, _L)] = (
                        (v - m) * iv * gvecs[k] + bvecs[k])
                return 0

            lax.fori_loop(0, _BLK, tok_body, 0)
            pltpu.async_copy(out_buf, out_h.at[pl.ds(base, _BLK)], osems[p])

        def pair_body(it, _):
            do_block(it * 2, 0)
            do_block(it * 2 + 1, 1)
            return 0

        lax.fori_loop(0, n_blocks // 2, pair_body, 0)

        pltpu.make_async_copy(out_a, out_h.at[pl.ds(0, _BLK)], osem_a).wait()
        pltpu.make_async_copy(out_b, out_h.at[pl.ds(0, _BLK)], osem_b).wait()

    return kern


@jax.jit
def kernel(day_ids, time_ids, location_ids, timedelta_ids, day_table,
           time_table, loc_table, td_table, pos_table, gamma, beta):
    b, s = day_ids.shape
    d = day_table.shape[1]
    n = b * s
    day_f = day_ids.reshape(-1).astype(jnp.int32)
    time_f = time_ids.reshape(-1).astype(jnp.int32)
    td_f = timedelta_ids.reshape(-1).astype(jnp.int32)
    combo = day_f | (time_f << 7) | (td_f << 13)
    kern = _make_kernel(n, s, d)
    out = kern(
        combo,
        location_ids.reshape(-1).astype(jnp.int32),
        _pack_table(day_table),
        _pack_table(time_table),
        loc_table,
        _pack_table(td_table),
        _pack_table(pos_table),
        gamma,
        beta,
    )
    return out.reshape(b, s, d)

# --- scband reference (transcript-rebuilt; emitter-appended) ---
"""Pipeline reference for scband-lpbertembedding-48146583388641 (READ-ONLY COPY).

The authoritative reference and input builder live on the scoring server;
editing this copy changes nothing except your own understanding.
"""

import jax, jax.numpy as jnp
import numpy as np
import math

B, S, D = 1024, 200, 128
MAX_DAYS, MAX_TIMES, MAX_LOC, MAX_TD = 75, 48, 100000, 48


def setup_inputs(seed: int = 0) -> dict:
    key = jax.random.key(seed)
    ks = jax.random.split(key, 11)
    day_ids = jax.random.randint(ks[0], (B, S), 0, MAX_DAYS)
    time_ids = jax.random.randint(ks[1], (B, S), 0, MAX_TIMES)
    location_ids = jax.random.randint(ks[2], (B, S), 0, MAX_LOC)
    timedelta_ids = jax.random.randint(ks[3], (B, S), 0, MAX_TD)
    day_table = jax.random.normal(ks[4], (MAX_DAYS, D), jnp.float32) * 0.02
    time_table = jax.random.normal(ks[5], (MAX_TIMES, D), jnp.float32) * 0.02
    loc_table = jax.random.normal(ks[6], (MAX_LOC, D), jnp.float32) * 0.01
    loc_table = loc_table.at[0].set(0.0)
    td_table = jax.random.normal(ks[7], (MAX_TD, D), jnp.float32) * 0.02
    pos_table = jax.random.normal(ks[8], (S, D), jnp.float32) * 0.02
    gamma = jnp.ones((D,), jnp.float32)
    beta = jnp.zeros((D,), jnp.float32)
    return {
        "day_ids": day_ids,
        "time_ids": time_ids,
        "location_ids": location_ids,
        "timedelta_ids": timedelta_ids,
        "day_table": day_table,
        "time_table": time_table,
        "loc_table": loc_table,
        "td_table": td_table,
        "pos_table": pos_table,
        "gamma": gamma,
        "beta": beta,
    }


def _layer_norm(x, gamma, beta, eps=1e-12):
    mean = jnp.mean(x, axis=-1, keepdims=True)
    var = jnp.mean(jnp.square(x - mean), axis=-1, keepdims=True)
    xn = (x - mean) / jnp.sqrt(var + eps)
    return xn * gamma + beta


def reference(day_ids, time_ids, location_ids, timedelta_ids, day_table, time_table, loc_table, td_table, pos_table, gamma, beta):
    embed_scale = math.sqrt(day_table.shape[1])
    seq_len = day_ids.shape[1]
    position_ids = jnp.arange(seq_len, dtype=jnp.int32)
    loc_emb = jnp.take(loc_table, location_ids, axis=0) * embed_scale
    embeddings = (
        jnp.take(day_table, day_ids, axis=0)
        + jnp.take(time_table, time_ids, axis=0)
        + loc_emb
        + jnp.take(td_table, timedelta_ids, axis=0)
        + jnp.take(pos_table, position_ids, axis=0)[None, :, :]
    )
    # dropout is identity in eval mode
    return _layer_norm(embeddings, gamma, beta)

if __name__ == "__main__":
    import jax
    _d = setup_inputs()
    print(jax.jit(kernel)(*tuple(_d.values())))

</pallas_src>

<mosaic_0001>
#map = affine_map<(d0, d1) -> (0)>
#map1 = affine_map<(d0, d1) -> (0, 0)>
module attributes {stable_mosaic.version = 14 : i64} {
  func.func @kern(%arg0: i32, %arg1: i32, %arg2: memref<204800xi32, #tpu.memory_space<hbm>>, %arg3: memref<204800xi32, #tpu.memory_space<hbm>>, %arg4: memref<75x64xi32, #tpu.memory_space<hbm>>, %arg5: memref<48x64xi32, #tpu.memory_space<hbm>>, %arg6: memref<100000x128xf32, #tpu.memory_space<hbm>>, %arg7: memref<48x64xi32, #tpu.memory_space<hbm>>, %arg8: memref<200x64xi32, #tpu.memory_space<hbm>>, %arg9: memref<128xf32, #tpu.memory_space<hbm>>, %arg10: memref<128xf32, #tpu.memory_space<hbm>>, %arg11: memref<204800x128xf32, #tpu.memory_space<hbm>>, %arg12: memref<75x64xi32, #tpu.memory_space<vmem>>, %arg13: memref<48x64xi32, #tpu.memory_space<vmem>>, %arg14: memref<48x64xi32, #tpu.memory_space<vmem>>, %arg15: memref<200x64xi32, #tpu.memory_space<vmem>>, %arg16: memref<128xf32, #tpu.memory_space<vmem>>, %arg17: memref<128xf32, #tpu.memory_space<vmem>>, %arg18: memref<6400xi32, #tpu.memory_space<vmem>>, %arg19: memref<6400xi32, #tpu.memory_space<vmem>>, %arg20: memref<128x128xf32, #tpu.memory_space<vmem>>, %arg21: memref<128x128xf32, #tpu.memory_space<vmem>>, %arg22: memref<128xf32, #tpu.memory_space<vmem>>, %arg23: memref<128xf32, #tpu.memory_space<vmem>>, %arg24: memref<128x128xf32, #tpu.memory_space<vmem>>, %arg25: memref<128x128xf32, #tpu.memory_space<vmem>>, %arg26: memref<!tpu.dma_semaphore, #tpu.memory_space<semaphore_mem>>, %arg27: memref<!tpu.dma_semaphore, #tpu.memory_space<semaphore_mem>>, %arg28: memref<!tpu.dma_semaphore, #tpu.memory_space<semaphore_mem>>, %arg29: memref<!tpu.dma_semaphore, #tpu.memory_space<semaphore_mem>>) attributes {dimension_semantics = [#tpu.dimension_semantics<core_parallel>, #tpu.dimension_semantics<subcore_parallel>], iteration_bounds = array<i64: 2, 16>, scalar_prefetch = 0 : i64, scratch_operands = 18 : i64, tpu.core_type = #tpu.core_type<sc_vector_subcore>, window_params = [{transform_indices = #map}, {transform_indices = #map}, {transform_indices = #map1}, {transform_indices = #map1}, {transform_indices = #map1}, {transform_indices = #map1}, {transform_indices = #map1}, {transform_indices = #map}, {transform_indices = #map}, {transform_indices = #map1}]} {
    %mul3A = arith.constant 2 : i32
    %mul3A_0 = arith.muli %arg1, %mul3A : i32
    %add3A = arith.addi %mul3A_0, %arg0 : i32
    %mul3A_1 = arith.constant 6400 : i32
    %mul3A_2 = arith.muli %add3A, %mul3A_1 : i32
    "tpu.region"() ({
      %run_scoped3A = tpu.sem_alloc : memref<!tpu.dma_semaphore, #tpu.memory_space<semaphore_mem>>
      tpu.enqueue_dma source(%arg4 : memref<75x64xi32, #tpu.memory_space<hbm>>) target(%arg12 : memref<75x64xi32, #tpu.memory_space<vmem>>) target_semaphore(%run_scoped3A : memref<!tpu.dma_semaphore, #tpu.memory_space<semaphore_mem>>)
      tpu.wait_dma2 semaphore(%run_scoped3A : memref<!tpu.dma_semaphore, #tpu.memory_space<semaphore_mem>>) src(%arg4 : memref<75x64xi32, #tpu.memory_space<hbm>>) dst(%arg12 : memref<75x64xi32, #tpu.memory_space<vmem>>)
      tpu.yield
    }) : () -> ()
    "tpu.region"() ({
      %run_scoped3A = tpu.sem_alloc : memref<!tpu.dma_semaphore, #tpu.memory_space<semaphore_mem>>
      tpu.enqueue_dma source(%arg5 : memref<48x64xi32, #tpu.memory_space<hbm>>) target(%arg13 : memref<48x64xi32, #tpu.memory_space<vmem>>) target_semaphore(%run_scoped3A : memref<!tpu.dma_semaphore, #tpu.memory_space<semaphore_mem>>)
      tpu.wait_dma2 semaphore(%run_scoped3A : memref<!tpu.dma_semaphore, #tpu.memory_space<semaphore_mem>>) src(%arg5 : memref<48x64xi32, #tpu.memory_space<hbm>>) dst(%arg13 : memref<48x64xi32, #tpu.memory_space<vmem>>)
      tpu.yield
    }) : () -> ()
    "tpu.region"() ({
      %run_scoped3A = tpu.sem_alloc : memref<!tpu.dma_semaphore, #tpu.memory_space<semaphore_mem>>
      tpu.enqueue_dma source(%arg7 : memref<48x64xi32, #tpu.memory_space<hbm>>) target(%arg14 : memref<48x64xi32, #tpu.memory_space<vmem>>) target_semaphore(%run_scoped3A : memref<!tpu.dma_semaphore, #tpu.memory_space<semaphore_mem>>)
      tpu.wait_dma2 semaphore(%run_scoped3A : memref<!tpu.dma_semaphore, #tpu.memory_space<semaphore_mem>>) src(%arg7 : memref<48x64xi32, #tpu.memory_space<hbm>>) dst(%arg14 : memref<48x64xi32, #tpu.memory_space<vmem>>)
      tpu.yield
    }) : () -> ()
    "tpu.region"() ({
      %run_scoped3A = tpu.sem_alloc : memref<!tpu.dma_semaphore, #tpu.memory_space<semaphore_mem>>
      tpu.enqueue_dma source(%arg8 : memref<200x64xi32, #tpu.memory_space<hbm>>) target(%arg15 : memref<200x64xi32, #tpu.memory_space<vmem>>) target_semaphore(%run_scoped3A : memref<!tpu.dma_semaphore, #tpu.memory_space<semaphore_mem>>)
      tpu.wait_dma2 semaphore(%run_scoped3A : memref<!tpu.dma_semaphore, #tpu.memory_space<semaphore_mem>>) src(%arg8 : memref<200x64xi32, #tpu.memory_space<hbm>>) dst(%arg15 : memref<200x64xi32, #tpu.memory_space<vmem>>)
      tpu.yield
    }) : () -> ()
    "tpu.region"() ({
      %run_scoped3A = tpu.sem_alloc : memref<!tpu.dma_semaphore, #tpu.memory_space<semaphore_mem>>
      tpu.enqueue_dma source(%arg9 : memref<128xf32, #tpu.memory_space<hbm>>) target(%arg16 : memref<128xf32, #tpu.memory_space<vmem>>) target_semaphore(%run_scoped3A : memref<!tpu.dma_semaphore, #tpu.memory_space<semaphore_mem>>)
      tpu.wait_dma2 semaphore(%run_scoped3A : memref<!tpu.dma_semaphore, #tpu.memory_space<semaphore_mem>>) src(%arg9 : memref<128xf32, #tpu.memory_space<hbm>>) dst(%arg16 : memref<128xf32, #tpu.memory_space<vmem>>)
      tpu.yield
    }) : () -> ()
    "tpu.region"() ({
      %run_scoped3A = tpu.sem_alloc : memref<!tpu.dma_semaphore, #tpu.memory_space<semaphore_mem>>
      tpu.enqueue_dma source(%arg10 : memref<128xf32, #tpu.memory_space<hbm>>) target(%arg17 : memref<128xf32, #tpu.memory_space<vmem>>) target_semaphore(%run_scoped3A : memref<!tpu.dma_semaphore, #tpu.memory_space<semaphore_mem>>)
      tpu.wait_dma2 semaphore(%run_scoped3A : memref<!tpu.dma_semaphore, #tpu.memory_space<semaphore_mem>>) src(%arg10 : memref<128xf32, #tpu.memory_space<hbm>>) dst(%arg17 : memref<128xf32, #tpu.memory_space<vmem>>)
      tpu.yield
    }) : () -> ()
    "tpu.region"() ({
      %run_scoped3A = tpu.sem_alloc : memref<!tpu.dma_semaphore, #tpu.memory_space<semaphore_mem>>
      %dma_start3A_57 = tpu.memref_slice %arg2[%mul3A_2] : memref<204800xi32, #tpu.memory_space<hbm>> -> memref<6400xi32, #tpu.memory_space<hbm>>
      %dma_start3A_58 = tpu.memref_slice %arg2[%mul3A_2] : memref<204800xi32, #tpu.memory_space<hbm>> -> memref<6400xi32, #tpu.memory_space<hbm>>
      tpu.enqueue_dma source(%dma_start3A_58 : memref<6400xi32, #tpu.memory_space<hbm>>) target(%arg18 : memref<6400xi32, #tpu.memory_space<vmem>>) target_semaphore(%run_scoped3A : memref<!tpu.dma_semaphore, #tpu.memory_space<semaphore_mem>>)
      %dma_wait3A_59 = tpu.memref_slice %arg2[%mul3A_2] : memref<204800xi32, #tpu.memory_space<hbm>> -> memref<6400xi32, #tpu.memory_space<hbm>>
      %dma_wait3A_60 = tpu.memref_slice %arg2[%mul3A_2] : memref<204800xi32, #tpu.memory_space<hbm>> -> memref<6400xi32, #tpu.memory_space<hbm>>
      tpu.wait_dma2 semaphore(%run_scoped3A : memref<!tpu.dma_semaphore, #tpu.memory_space<semaphore_mem>>) src(%dma_wait3A_60 : memref<6400xi32, #tpu.memory_space<hbm>>) dst(%arg18 : memref<6400xi32, #tpu.memory_space<vmem>>)
      tpu.yield
    }) : () -> ()
    "tpu.region"() ({
      %run_scoped3A = tpu.sem_alloc : memref<!tpu.dma_semaphore, #tpu.memory_space<semaphore_mem>>
      %dma_start3A_57 = tpu.memref_slice %arg3[%mul3A_2] : memref<204800xi32, #tpu.memory_space<hbm>> -> memref<6400xi32, #tpu.memory_space<hbm>>
      %dma_start3A_58 = tpu.memref_slice %arg3[%mul3A_2] : memref<204800xi32, #tpu.memory_space<hbm>> -> memref<6400xi32, #tpu.memory_space<hbm>>
      tpu.enqueue_dma source(%dma_start3A_58 : memref<6400xi32, #tpu.memory_space<hbm>>) target(%arg19 : memref<6400xi32, #tpu.memory_space<vmem>>) target_semaphore(%run_scoped3A : memref<!tpu.dma_semaphore, #tpu.memory_space<semaphore_mem>>)
      %dma_wait3A_59 = tpu.memref_slice %arg3[%mul3A_2] : memref<204800xi32, #tpu.memory_space<hbm>> -> memref<6400xi32, #tpu.memory_space<hbm>>
      %dma_wait3A_60 = tpu.memref_slice %arg3[%mul3A_2] : memref<204800xi32, #tpu.memory_space<hbm>> -> memref<6400xi32, #tpu.memory_space<hbm>>
      tpu.wait_dma2 semaphore(%run_scoped3A : memref<!tpu.dma_semaphore, #tpu.memory_space<semaphore_mem>>) src(%dma_wait3A_60 : memref<6400xi32, #tpu.memory_space<hbm>>) dst(%arg19 : memref<6400xi32, #tpu.memory_space<vmem>>)
      tpu.yield
    }) : () -> ()
    %iota3A = tpu.iota {dimensions = array<i32: 0>} : vector<16xi32>
    %broadcast_in_dim3A = arith.constant 0 : i32
    %broadcast_in_dim3A_3 = vector.broadcast %broadcast_in_dim3A : i32 to vector<16xi32>
    %get3A = arith.constant 0 : index
    %get3A_4 = tpu.vector_load %arg16[%get3A] {strides = array<i32>} : memref<128xf32, #tpu.memory_space<vmem>>, vector<16xf32>,
    %get3A_5 = arith.constant 16 : index
    %get3A_6 = tpu.vector_load %arg16[%get3A_5] {strides = array<i32>} : memref<128xf32, #tpu.memory_space<vmem>>, vector<16xf32>,
    %get3A_7 = arith.constant 32 : index
    %get3A_8 = tpu.vector_load %arg16[%get3A_7] {strides = array<i32>} : memref<128xf32, #tpu.memory_space<vmem>>, vector<16xf32>,
    %get3A_9 = arith.constant 48 : index
    %get3A_10 = tpu.vector_load %arg16[%get3A_9] {strides = array<i32>} : memref<128xf32, #tpu.memory_space<vmem>>, vector<16xf32>,
    %get3A_11 = arith.constant 64 : index
    %get3A_12 = tpu.vector_load %arg16[%get3A_11] {strides = array<i32>} : memref<128xf32, #tpu.memory_space<vmem>>, vector<16xf32>,
    %get3A_13 = arith.constant 80 : index
    %get3A_14 = tpu.vector_load %arg16[%get3A_13] {strides = array<i32>} : memref<128xf32, #tpu.memory_space<vmem>>, vector<16xf32>,
    %get3A_15 = arith.constant 96 : index
    %get3A_16 = tpu.vector_load %arg16[%get3A_15] {strides = array<i32>} : memref<128xf32, #tpu.memory_space<vmem>>, vector<16xf32>,
    %get3A_17 = arith.constant 112 : index
    %get3A_18 = tpu.vector_load %arg16[%get3A_17] {strides = array<i32>} : memref<128xf32, #tpu.memory_space<vmem>>, vector<16xf32>,
    %get3A_19 = arith.constant 0 : index
    %get3A_20 = tpu.vector_load %arg17[%get3A_19] {strides = array<i32>} : memref<128xf32, #tpu.memory_space<vmem>>, vector<16xf32>,
    %get3A_21 = arith.constant 16 : index
    %get3A_22 = tpu.vector_load %arg17[%get3A_21] {strides = array<i32>} : memref<128xf32, #tpu.memory_space<vmem>>, vector<16xf32>,
    %get3A_23 = arith.constant 32 : index
    %get3A_24 = tpu.vector_load %arg17[%get3A_23] {strides = array<i32>} : memref<128xf32, #tpu.memory_space<vmem>>, vector<16xf32>,
    %get3A_25 = arith.constant 48 : index
    %get3A_26 = tpu.vector_load %arg17[%get3A_25] {strides = array<i32>} : memref<128xf32, #tpu.memory_space<vmem>>, vector<16xf32>,
    %get3A_27 = arith.constant 64 : index
    %get3A_28 = tpu.vector_load %arg17[%get3A_27] {strides = array<i32>} : memref<128xf32, #tpu.memory_space<vmem>>, vector<16xf32>,
    %get3A_29 = arith.constant 80 : index
    %get3A_30 = tpu.vector_load %arg17[%get3A_29] {strides = array<i32>} : memref<128xf32, #tpu.memory_space<vmem>>, vector<16xf32>,
    %get3A_31 = arith.constant 96 : index
    %get3A_32 = tpu.vector_load %arg17[%get3A_31] {strides = array<i32>} : memref<128xf32, #tpu.memory_space<vmem>>, vector<16xf32>,
    %get3A_33 = arith.constant 112 : index
    %get3A_34 = tpu.vector_load %arg17[%get3A_33] {strides = array<i32>} : memref<128xf32, #tpu.memory_space<vmem>>, vector<16xf32>,
    %dma_start3A = arith.constant 0 : i32
    %dma_start3A_35 = tpu.memref_slice %arg19[%dma_start3A] : memref<6400xi32, #tpu.memory_space<vmem>> -> memref<128xi32, #tpu.memory_space<vmem>>
    %dma_start3A_36 = arith.constant 0 : i32
    %dma_start3A_37 = arith.constant 0 : i32
    %dma_start3A_38 = tpu.memref_slice %arg6[%dma_start3A_36, %dma_start3A_37] : memref<100000x128xf32, #tpu.memory_space<hbm>> -> memref<100000x128xf32, #tpu.memory_space<hbm>>
    tpu.enqueue_indirect_dma source(%dma_start3A_38 : memref<100000x128xf32, #tpu.memory_space<hbm>>) target(%arg20 : memref<128x128xf32, #tpu.memory_space<vmem>>) offsets(%dma_start3A_35 : memref<128xi32, #tpu.memory_space<vmem>>) semaphore(%arg26 : memref<!tpu.dma_semaphore, #tpu.memory_space<semaphore_mem>>)
    %scan3A = arith.constant -65536 : i32
    %scan3A_39 = arith.constant 0 : i32
    %scan3A_40 = arith.constant 0 : i32
    %scan3A_41 = arith.constant 25 : i32
    %scan3A_42 = arith.addi %scan3A_40, %scan3A_41 : i32
    %scan3A_43 = arith.constant 1 : i32
    %scan3A_44 = scf.for %scan3A_57 = %scan3A_40 to %scan3A_42 step %scan3A_43 iter_args(%scan3A_58 = %scan3A_39) -> (i32)  : i32 {
      %mul3A_59 = arith.constant 2 : i32
      %mul3A_60 = arith.muli %scan3A_57, %mul3A_59 : i32
      %add3A_61 = arith.constant 1 : i32
      %add3A_62 = arith.addi %mul3A_60, %add3A_61 : i32
      %lt3A = arith.constant 50 : i32
      %lt3A_63 = arith.cmpi slt, %add3A_62, %lt3A : i32
      %convert_element_type3A = arith.extui %lt3A_63 : i1 to i32
      %cond3A = arith.constant 0 : i32
      %cond3A_64 = arith.cmpi ne, %convert_element_type3A, %cond3A : i32
      scf.if %cond3A_64 {
        %add3A_140 = arith.constant 1 : i32
        %add3A_141 = arith.addi %mul3A_60, %add3A_140 : i32
        %mul3A_142 = arith.constant 128 : i32
        %mul3A_143 = arith.muli %add3A_141, %mul3A_142 : i32
        %dma_start3A_144 = tpu.memref_slice %arg19[%mul3A_143] : memref<6400xi32, #tpu.memory_space<vmem>> -> memref<128xi32, #tpu.memory_space<vmem>>
        %dma_start3A_145 = arith.constant 0 : i32
        %dma_start3A_146 = arith.constant 0 : i32
        %dma_start3A_147 = tpu.memref_slice %arg6[%dma_start3A_145, %dma_start3A_146] : memref<100000x128xf32, #tpu.memory_space<hbm>> -> memref<100000x128xf32, #tpu.memory_space<hbm>>
        tpu.enqueue_indirect_dma source(%dma_start3A_147 : memref<100000x128xf32, #tpu.memory_space<hbm>>) target(%arg21 : memref<128x128xf32, #tpu.memory_space<vmem>>) offsets(%dma_start3A_144 : memref<128xi32, #tpu.memory_space<vmem>>) semaphore(%arg27 : memref<!tpu.dma_semaphore, #tpu.memory_space<semaphore_mem>>)
      } else {
      }
      %dma_wait3A_65 = arith.constant 0 : i32
      %dma_wait3A_66 = arith.constant 0 : i32
      %dma_wait3A_67 = tpu.memref_slice %arg6[%dma_wait3A_65, %dma_wait3A_66] : memref<100000x128xf32, #tpu.memory_space<hbm>> -> memref<128x128xf32, #tpu.memory_space<hbm>>
      %dma_wait3A_68 = arith.constant 0 : i32
      %dma_wait3A_69 = arith.constant 0 : i32
      %dma_wait3A_70 = tpu.memref_slice %arg6[%dma_wait3A_68, %dma_wait3A_69] : memref<100000x128xf32, #tpu.memory_space<hbm>> -> memref<128x128xf32, #tpu.memory_space<hbm>>
      tpu.wait_dma2 semaphore(%arg26 : memref<!tpu.dma_semaphore, #tpu.memory_space<semaphore_mem>>) src(%dma_wait3A_70 : memref<128x128xf32, #tpu.memory_space<hbm>>) dst(%arg20 : memref<128x128xf32, #tpu.memory_space<vmem>>)
      %ge3A = arith.constant 2 : i32
      %ge3A_71 = arith.cmpi sge, %mul3A_60, %ge3A : i32
      %convert_element_type3A_72 = arith.extui %ge3A_71 : i1 to i32
      %cond3A_73 = arith.constant 0 : i32
      %cond3A_74 = arith.cmpi ne, %convert_element_type3A_72, %cond3A_73 : i32
      scf.if %cond3A_74 {
        %dma_wait3A_140 = arith.constant 0 : i32
        %dma_wait3A_141 = arith.constant 0 : i32
        %dma_wait3A_142 = tpu.memref_slice %arg11[%dma_wait3A_140, %dma_wait3A_141] : memref<204800x128xf32, #tpu.memory_space<hbm>> -> memref<128x128xf32, #tpu.memory_space<hbm>>
        %dma_wait3A_143 = arith.constant 0 : i32
        %dma_wait3A_144 = arith.constant 0 : i32
        %dma_wait3A_145 = tpu.memref_slice %arg11[%dma_wait3A_143, %dma_wait3A_144] : memref<204800x128xf32, #tpu.memory_space<hbm>> -> memref<128x128xf32, #tpu.memory_space<hbm>>
        tpu.wait_dma2 semaphore(%arg28 : memref<!tpu.dma_semaphore, #tpu.memory_space<semaphore_mem>>) src(%arg24 : memref<128x128xf32, #tpu.memory_space<vmem>>) dst(%dma_wait3A_145 : memref<128x128xf32, #tpu.memory_space<hbm>>)
      } else {
      }
      %mul3A_75 = arith.constant 128 : i32
      %mul3A_76 = arith.muli %mul3A_60, %mul3A_75 : i32
      %add3A_77 = arith.addi %mul3A_2, %mul3A_76 : i32
      %scan3A_78 = arith.constant 0 : i32
      %scan3A_79 = arith.constant 0 : i32
      %scan3A_80 = arith.constant 8 : i32
      %scan3A_81 = arith.addi %scan3A_79, %scan3A_80 : i32
      %scan3A_82 = arith.constant 1 : i32
      %scan3A_83 = scf.for %scan3A_140 = %scan3A_79 to %scan3A_81 step %scan3A_82 iter_args(%scan3A_141 = %scan3A_78) -> (i32)  : i32 {
        %mul3A_142 = arith.constant 16 : i32
        %mul3A_143 = arith.muli %scan3A_140, %mul3A_142 : i32
        %add3A_144 = vector.broadcast %mul3A_143 : i32 to vector<16xi32>
        %add3A_145 = arith.addi %add3A_144, %iota3A : vector<16xi32>
        %mul3A_146 = arith.constant 128 : i32
        %mul3A_147 = arith.muli %mul3A_60, %mul3A_146 : i32
        %add3A_148 = arith.addi %mul3A_147, %mul3A_143 : i32
        %get3A_149 = arith.index_cast %add3A_148 : i32 to index
        %get3A_150 = tpu.vector_load %arg18[%get3A_149] {strides = array<i32>} : memref<6400xi32, #tpu.memory_space<vmem>>, vector<16xi32>,
        %and3A = arith.constant 127 : i32
        %and3A_151 = vector.broadcast %and3A : i32 to vector<16xi32>
        %and3A_152 = arith.andi %get3A_150, %and3A_151 : vector<16xi32>
        %shift_right_logical3A = arith.constant 7 : i32
        %shift_right_logical3A_153 = vector.broadcast %shift_right_logical3A : i32 to vector<16xi32>
        %shift_right_logical3A_154 = arith.shrui %get3A_150, %shift_right_logical3A_153 : vector<16xi32>
        %and3A_155 = arith.constant 63 : i32
        %and3A_156 = vector.broadcast %and3A_155 : i32 to vector<16xi32>
        %and3A_157 = arith.andi %shift_right_logical3A_154, %and3A_156 : vector<16xi32>
        %shift_right_logical3A_158 = arith.constant 13 : i32
        %shift_right_logical3A_159 = vector.broadcast %shift_right_logical3A_158 : i32 to vector<16xi32>
        %shift_right_logical3A_160 = arith.shrui %get3A_150, %shift_right_logical3A_159 : vector<16xi32>
        %add3A_161 = vector.broadcast %add3A_77 : i32 to vector<16xi32>
        %add3A_162 = arith.addi %add3A_161, %add3A_145 : vector<16xi32>
        %rem3A = arith.constant 200 : i32
        %rem3A_163 = vector.broadcast %rem3A : i32 to vector<16xi32>
        %rem3A_164 = arith.remsi %add3A_162, %rem3A_163 : vector<16xi32>
        %broadcast_in_dim3A_165 = arith.constant 0.000000e+00 : f32
        %broadcast_in_dim3A_166 = vector.broadcast %broadcast_in_dim3A_165 : f32 to vector<16xf32>
        %scan3A_167 = arith.constant 0 : i32
        %scan3A_168 = arith.constant 16 : i32
        %scan3A_169 = arith.addi %scan3A_167, %scan3A_168 : i32
        %scan3A_170 = arith.constant 1 : i32
        %scan3A_171:8 = scf.for %scan3A_227 = %scan3A_167 to %scan3A_169 step %scan3A_170 iter_args(%scan3A_228 = %broadcast_in_dim3A_166, %scan3A_229 = %broadcast_in_dim3A_166, %scan3A_230 = %broadcast_in_dim3A_166, %scan3A_231 = %broadcast_in_dim3A_166, %scan3A_232 = %broadcast_in_dim3A_166, %scan3A_233 = %broadcast_in_dim3A_166, %scan3A_234 = %broadcast_in_dim3A_166, %scan3A_235 = %broadcast_in_dim3A_166) -> (vector<16xf32>, vector<16xf32>, vector<16xf32>, vector<16xf32>, vector<16xf32>, vector<16xf32>, vector<16xf32>, vector<16xf32>)  : i32 {
          %mul3A_236 = arith.constant 4 : i32
          %mul3A_237 = arith.muli %scan3A_227, %mul3A_236 : i32
          %add3A_238 = arith.constant 0 : i32
          %add3A_239 = arith.addi %mul3A_237, %add3A_238 : i32
          %add3A_240 = vector.broadcast %add3A_239 : i32 to vector<16xi32>
          %add3A_241 = arith.addi %iota3A, %add3A_240 : vector<16xi32>
          %and3A_242 = arith.constant 63 : i32
          %and3A_243 = vector.broadcast %and3A_242 : i32 to vector<16xi32>
          %and3A_244 = arith.andi %add3A_241, %and3A_243 : vector<16xi32>
          %gather3A = tpu.vector_load_idx %arg12[%and3A_152, %and3A_244] : memref<75x64xi32, #tpu.memory_space<vmem>>[vector<16xi32>, vector<16xi32>], vector<16xi32>,
          %gather3A_245 = tpu.vector_load_idx %arg13[%and3A_157, %and3A_244] : memref<48x64xi32, #tpu.memory_space<vmem>>[vector<16xi32>, vector<16xi32>], vector<16xi32>,
          %gather3A_246 = tpu.vector_load_idx %arg14[%shift_right_logical3A_160, %and3A_244] : memref<48x64xi32, #tpu.memory_space<vmem>>[vector<16xi32>, vector<16xi32>], vector<16xi32>,
          %gather3A_247 = tpu.vector_load_idx %arg15[%rem3A_164, %and3A_244] : memref<200x64xi32, #tpu.memory_space<vmem>>[vector<16xi32>, vector<16xi32>], vector<16xi32>,
          %gather3A_248 = tpu.vector_load_idx %arg20[%add3A_145, %and3A_244] : memref<128x128xf32, #tpu.memory_space<vmem>>[vector<16xi32>, vector<16xi32>], vector<16xf32>,
          %add3A_249 = arith.constant 64 : i32
          %add3A_250 = vector.broadcast %add3A_249 : i32 to vector<16xi32>
          %add3A_251 = arith.addi %and3A_244, %add3A_250 : vector<16xi32>
          %gather3A_252 = tpu.vector_load_idx %arg20[%add3A_145, %add3A_251] : memref<128x128xf32, #tpu.memory_space<vmem>>[vector<16xi32>, vector<16xi32>], vector<16xf32>,
          %shift_left3A = arith.constant 16 : i32
          %shift_left3A_253 = vector.broadcast %shift_left3A : i32 to vector<16xi32>
          %shift_left3A_254 = arith.shli %gather3A, %shift_left3A_253 : vector<16xi32>
          %bitcast3A_255 = vector.bitcast %shift_left3A_254 : vector<16xi32> to vector<16xf32>
          %shift_left3A_256 = arith.constant 16 : i32
          %shift_left3A_257 = vector.broadcast %shift_left3A_256 : i32 to vector<16xi32>
          %shift_left3A_258 = arith.shli %gather3A_245, %shift_left3A_257 : vector<16xi32>
          %bitcast3A_259 = vector.bitcast %shift_left3A_258 : vector<16xi32> to vector<16xf32>
          %add3A_260 = arith.addf %bitcast3A_255, %bitcast3A_259 : vector<16xf32>
          %shift_left3A_261 = arith.constant 16 : i32
          %shift_left3A_262 = vector.broadcast %shift_left3A_261 : i32 to vector<16xi32>
          %shift_left3A_263 = arith.shli %gather3A_246, %shift_left3A_262 : vector<16xi32>
          %bitcast3A_264 = vector.bitcast %shift_left3A_263 : vector<16xi32> to vector<16xf32>
          %shift_left3A_265 = arith.constant 16 : i32
          %shift_left3A_266 = vector.broadcast %shift_left3A_265 : i32 to vector<16xi32>
          %shift_left3A_267 = arith.shli %gather3A_247, %shift_left3A_266 : vector<16xi32>
          %bitcast3A_268 = vector.bitcast %shift_left3A_267 : vector<16xi32> to vector<16xf32>
          %add3A_269 = arith.addf %bitcast3A_264, %bitcast3A_268 : vector<16xf32>
          %add3A_270 = arith.addf %add3A_260, %add3A_269 : vector<16xf32>
          %mul3A_271 = arith.constant 11.3137083 : f32
          %mul3A_272 = vector.broadcast %mul3A_271 : f32 to vector<16xf32>
          %mul3A_273 = arith.mulf %gather3A_248, %mul3A_272 : vector<16xf32>
          %add3A_274 = arith.addf %add3A_270, %mul3A_273 : vector<16xf32>
          %and3A_275 = vector.broadcast %scan3A : i32 to vector<16xi32>
          %and3A_276 = arith.andi %gather3A, %and3A_275 : vector<16xi32>
          %bitcast3A_277 = vector.bitcast %and3A_276 : vector<16xi32> to vector<16xf32>
          %and3A_278 = vector.broadcast %scan3A : i32 to vector<16xi32>
          %and3A_279 = arith.andi %gather3A_245, %and3A_278 : vector<16xi32>
          %bitcast3A_280 = vector.bitcast %and3A_279 : vector<16xi32> to vector<16xf32>
          %add3A_281 = arith.addf %bitcast3A_277, %bitcast3A_280 : vector<16xf32>
          %and3A_282 = vector.broadcast %scan3A : i32 to vector<16xi32>
          %and3A_283 = arith.andi %gather3A_246, %and3A_282 : vector<16xi32>
          %bitcast3A_284 = vector.bitcast %and3A_283 : vector<16xi32> to vector<16xf32>
          %and3A_285 = vector.broadcast %scan3A : i32 to vector<16xi32>
          %and3A_286 = arith.andi %gather3A_247, %and3A_285 : vector<16xi32>
          %bitcast3A_287 = vector.bitcast %and3A_286 : vector<16xi32> to vector<16xf32>
          %add3A_288 = arith.addf %bitcast3A_284, %bitcast3A_287 : vector<16xf32>
          %add3A_289 = arith.addf %add3A_281, %add3A_288 : vector<16xf32>
          %mul3A_290 = arith.constant 11.3137083 : f32
          %mul3A_291 = vector.broadcast %mul3A_290 : f32 to vector<16xf32>
          %mul3A_292 = arith.mulf %gather3A_252, %mul3A_291 : vector<16xf32>
          %add3A_293 = arith.addf %add3A_289, %mul3A_292 : vector<16xf32>
          tpu.vector_store_idx %arg24[%add3A_145, %and3A_244], %add3A_274 : memref<128x128xf32, #tpu.memory_space<vmem>>[vector<16xi32>, vector<16xi32>], vector<16xf32>,
          %add3A_294 = arith.constant 64 : i32
          %add3A_295 = vector.broadcast %add3A_294 : i32 to vector<16xi32>
          %add3A_296 = arith.addi %and3A_244, %add3A_295 : vector<16xi32>
          tpu.vector_store_idx %arg24[%add3A_145, %add3A_296], %add3A_293 : memref<128x128xf32, #tpu.memory_space<vmem>>[vector<16xi32>, vector<16xi32>], vector<16xf32>,
          %add3A_297 = arith.addf %add3A_274, %add3A_293 : vector<16xf32>
          %add3A_298 = arith.addf %scan3A_228, %add3A_297 : vector<16xf32>
          %mul3A_299 = arith.mulf %add3A_274, %add3A_274 : vector<16xf32>
          %mul3A_300 = arith.mulf %add3A_293, %add3A_293 : vector<16xf32>
          %add3A_301 = arith.addf %mul3A_299, %mul3A_300 : vector<16xf32>
          %add3A_302 = arith.addf %scan3A_229, %add3A_301 : vector<16xf32>
          %add3A_303 = arith.constant 1 : i32
          %add3A_304 = arith.addi %mul3A_237, %add3A_303 : i32
          %add3A_305 = vector.broadcast %add3A_304 : i32 to vector<16xi32>
          %add3A_306 = arith.addi %iota3A, %add3A_305 : vector<16xi32>
          %and3A_307 = arith.constant 63 : i32
          %and3A_308 = vector.broadcast %and3A_307 : i32 to vector<16xi32>
          %and3A_309 = arith.andi %add3A_306, %and3A_308 : vector<16xi32>
          %gather3A_310 = tpu.vector_load_idx %arg12[%and3A_152, %and3A_309] : memref<75x64xi32, #tpu.memory_space<vmem>>[vector<16xi32>, vector<16xi32>], vector<16xi32>,
          %gather3A_311 = tpu.vector_load_idx %arg13[%and3A_157, %and3A_309] : memref<48x64xi32, #tpu.memory_space<vmem>>[vector<16xi32>, vector<16xi32>], vector<16xi32>,
          %gather3A_312 = tpu.vector_load_idx %arg14[%shift_right_logical3A_160, %and3A_309] : memref<48x64xi32, #tpu.memory_space<vmem>>[vector<16xi32>, vector<16xi32>], vector<16xi32>,
          %gather3A_313 = tpu.vector_load_idx %arg15[%rem3A_164, %and3A_309] : memref<200x64xi32, #tpu.memory_space<vmem>>[vector<16xi32>, vector<16xi32>], vector<16xi32>,
          %gather3A_314 = tpu.vector_load_idx %arg20[%add3A_145, %and3A_309] : memref<128x128xf32, #tpu.memory_space<vmem>>[vector<16xi32>, vector<16xi32>], vector<16xf32>,
          %add3A_315 = arith.constant 64 : i32
          %add3A_316 = vector.broadcast %add3A_315 : i32 to vector<16xi32>
          %add3A_317 = arith.addi %and3A_309, %add3A_316 : vector<16xi32>
          %gather3A_318 = tpu.vector_load_idx %arg20[%add3A_145, %add3A_317] : memref<128x128xf32, #tpu.memory_space<vmem>>[vector<16xi32>, vector<16xi32>], vector<16xf32>,
          %shift_left3A_319 = arith.constant 16 : i32
          %shift_left3A_320 = vector.broadcast %shift_left3A_319 : i32 to vector<16xi32>
          %shift_left3A_321 = arith.shli %gather3A_310, %shift_left3A_320 : vector<16xi32>
          %bitcast3A_322 = vector.bitcast %shift_left3A_321 : vector<16xi32> to vector<16xf32>
          %shift_left3A_323 = arith.constant 16 : i32
          %shift_left3A_324 = vector.broadcast %shift_left3A_323 : i32 to vector<16xi32>
          %shift_left3A_325 = arith.shli %gather3A_311, %shift_left3A_324 : vector<16xi32>
          %bitcast3A_326 = vector.bitcast %shift_left3A_325 : vector<16xi32> to vector<16xf32>
          %add3A_327 = arith.addf %bitcast3A_322, %bitcast3A_326 : vector<16xf32>
          %shift_left3A_328 = arith.constant 16 : i32
          %shift_left3A_329 = vector.broadcast %shift_left3A_328 : i32 to vector<16xi32>
          %shift_left3A_330 = arith.shli %gather3A_312, %shift_left3A_329 : vector<16xi32>
          %bitcast3A_331 = vector.bitcast %shift_left3A_330 : vector<16xi32> to vector<16xf32>
          %shift_left3A_332 = arith.constant 16 : i32
          %shift_left3A_333 = vector.broadcast %shift_left3A_332 : i32 to vector<16xi32>
          %shift_left3A_334 = arith.shli %gather3A_313, %shift_left3A_333 : vector<16xi32>
          %bitcast3A_335 = vector.bitcast %shift_left3A_334 : vector<16xi32> to vector<16xf32>
          %add3A_336 = arith.addf %bitcast3A_331, %bitcast3A_335 : vector<16xf32>
          %add3A_337 = arith.addf %add3A_327, %add3A_336 : vector<16xf32>
          %mul3A_338 = arith.constant 11.3137083 : f32
          %mul3A_339 = vector.broadcast %mul3A_338 : f32 to vector<16xf32>
          %mul3A_340 = arith.mulf %gather3A_314, %mul3A_339 : vector<16xf32>
          %add3A_341 = arith.addf %add3A_337, %mul3A_340 : vector<16xf32>
          %and3A_342 = vector.broadcast %scan3A : i32 to vector<16xi32>
          %and3A_343 = arith.andi %gather3A_310, %and3A_342 : vector<16xi32>
          %bitcast3A_344 = vector.bitcast %and3A_343 : vector<16xi32> to vector<16xf32>
          %and3A_345 = vector.broadcast %scan3A : i32 to vector<16xi32>
          %and3A_346 = arith.andi %gather3A_311, %and3A_345 : vector<16xi32>
          %bitcast3A_347 = vector.bitcast %and3A_346 : vector<16xi32> to vector<16xf32>
          %add3A_348 = arith.addf %bitcast3A_344, %bitcast3A_347 : vector<16xf32>
          %and3A_349 = vector.broadcast %scan3A : i32 to vector<16xi32>
          %and3A_350 = arith.andi %gather3A_312, %and3A_349 : vector<16xi32>
          %bitcast3A_351 = vector.bitcast %and3A_350 : vector<16xi32> to vector<16xf32>
          %and3A_352 = vector.broadcast %scan3A : i32 to vector<16xi32>
          %and3A_353 = arith.andi %gather3A_313, %and3A_352 : vector<16xi32>
          %bitcast3A_354 = vector.bitcast %and3A_353 : vector<16xi32> to vector<16xf32>
          %add3A_355 = arith.addf %bitcast3A_351, %bitcast3A_354 : vector<16xf32>
          %add3A_356 = arith.addf %add3A_348, %add3A_355 : vector<16xf32>
          %mul3A_357 = arith.constant 11.3137083 : f32
          %mul3A_358 = vector.broadcast %mul3A_357 : f32 to vector<16xf32>
          %mul3A_359 = arith.mulf %gather3A_318, %mul3A_358 : vector<16xf32>
          %add3A_360 = arith.addf %add3A_356, %mul3A_359 : vector<16xf32>
          tpu.vector_store_idx %arg24[%add3A_145, %and3A_309], %add3A_341 : memref<128x128xf32, #tpu.memory_space<vmem>>[vector<16xi32>, vector<16xi32>], vector<16xf32>,
          %add3A_361 = arith.constant 64 : i32
          %add3A_362 = vector.broadcast %add3A_361 : i32 to vector<16xi32>
          %add3A_363 = arith.addi %and3A_309, %add3A_362 : vector<16xi32>
          tpu.vector_store_idx %arg24[%add3A_145, %add3A_363], %add3A_360 : memref<128x128xf32, #tpu.memory_space<vmem>>[vector<16xi32>, vector<16xi32>], vector<16xf32>,
          %add3A_364 = arith.addf %add3A_341, %add3A_360 : vector<16xf32>
          %add3A_365 = arith.addf %scan3A_230, %add3A_364 : vector<16xf32>
          %mul3A_366 = arith.mulf %add3A_341, %add3A_341 : vector<16xf32>
          %mul3A_367 = arith.mulf %add3A_360, %add3A_360 : vector<16xf32>
          %add3A_368 = arith.addf %mul3A_366, %mul3A_367 : vector<16xf32>
          %add3A_369 = arith.addf %scan3A_231, %add3A_368 : vector<16xf32>
          %add3A_370 = arith.constant 2 : i32
          %add3A_371 = arith.addi %mul3A_237, %add3A_370 : i32
          %add3A_372 = vector.broadcast %add3A_371 : i32 to vector<16xi32>
          %add3A_373 = arith.addi %iota3A, %add3A_372 : vector<16xi32>
          %and3A_374 = arith.constant 63 : i32
          %and3A_375 = vector.broadcast %and3A_374 : i32 to vector<16xi32>
          %and3A_376 = arith.andi %add3A_373, %and3A_375 : vector<16xi32>
          %gather3A_377 = tpu.vector_load_idx %arg12[%and3A_152, %and3A_376] : memref<75x64xi32, #tpu.memory_space<vmem>>[vector<16xi32>, vector<16xi32>], vector<16xi32>,
          %gather3A_378 = tpu.vector_load_idx %arg13[%and3A_157, %and3A_376] : memref<48x64xi32, #tpu.memory_space<vmem>>[vector<16xi32>, vector<16xi32>], vector<16xi32>,
          %gather3A_379 = tpu.vector_load_idx %arg14[%shift_right_logical3A_160, %and3A_376] : memref<48x64xi32, #tpu.memory_space<vmem>>[vector<16xi32>, vector<16xi32>], vector<16xi32>,
          %gather3A_380 = tpu.vector_load_idx %arg15[%rem3A_164, %and3A_376] : memref<200x64xi32, #tpu.memory_space<vmem>>[vector<16xi32>, vector<16xi32>], vector<16xi32>,
          %gather3A_381 = tpu.vector_load_idx %arg20[%add3A_145, %and3A_376] : memref<128x128xf32, #tpu.memory_space<vmem>>[vector<16xi32>, vector<16xi32>], vector<16xf32>,
          %add3A_382 = arith.constant 64 : i32
          %add3A_383 = vector.broadcast %add3A_382 : i32 to vector<16xi32>
          %add3A_384 = arith.addi %and3A_376, %add3A_383 : vector<16xi32>
          %gather3A_385 = tpu.vector_load_idx %arg20[%add3A_145, %add3A_384] : memref<128x128xf32, #tpu.memory_space<vmem>>[vector<16xi32>, vector<16xi32>], vector<16xf32>,
          %shift_left3A_386 = arith.constant 16 : i32
          %shift_left3A_387 = vector.broadcast %shift_left3A_386 : i32 to vector<16xi32>
          %shift_left3A_388 = arith.shli %gather3A_377, %shift_left3A_387 : vector<16xi32>
          %bitcast3A_389 = vector.bitcast %shift_left3A_388 : vector<16xi32> to vector<16xf32>
          %shift_left3A_390 = arith.constant 16 : i32
          %shift_left3A_391 = vector.broadcast %shift_left3A_390 : i32 to vector<16xi32>
          %shift_left3A_392 = arith.shli %gather3A_378, %shift_left3A_391 : vector<16xi32>
          %bitcast3A_393 = vector.bitcast %shift_left3A_392 : vector<16xi32> to vector<16xf32>
          %add3A_394 = arith.addf %bitcast3A_389, %bitcast3A_393 : vector<16xf32>
          %shift_left3A_395 = arith.constant 16 : i32
          %shift_left3A_396 = vector.broadcast %shift_left3A_395 : i32 to vector<16xi32>
          %shift_left3A_397 = arith.shli %gather3A_379, %shift_left3A_396 : vector<16xi32>
          %bitcast3A_398 = vector.bitcast %shift_left3A_397 : vector<16xi32> to vector<16xf32>
          %shift_left3A_399 = arith.constant 16 : i32
          %shift_left3A_400 = vector.broadcast %shift_left3A_399 : i32 to vector<16xi32>
          %shift_left3A_401 = arith.shli %gather3A_380, %shift_left3A_400 : vector<16xi32>
          %bitcast3A_402 = vector.bitcast %shift_left3A_401 : vector<16xi32> to vector<16xf32>
          %add3A_403 = arith.addf %bitcast3A_398, %bitcast3A_402 : vector<16xf32>
          %add3A_404 = arith.addf %add3A_394, %add3A_403 : vector<16xf32>
          %mul3A_405 = arith.constant 11.3137083 : f32
          %mul3A_406 = vector.broadcast %mul3A_405 : f32 to vector<16xf32>
          %mul3A_407 = arith.mulf %gather3A_381, %mul3A_406 : vector<16xf32>
          %add3A_408 = arith.addf %add3A_404, %mul3A_407 : vector<16xf32>
          %and3A_409 = vector.broadcast %scan3A : i32 to vector<16xi32>
          %and3A_410 = arith.andi %gather3A_377, %and3A_409 : vector<16xi32>
          %bitcast3A_411 = vector.bitcast %and3A_410 : vector<16xi32> to vector<16xf32>
          %and3A_412 = vector.broadcast %scan3A : i32 to vector<16xi32>
          %and3A_413 = arith.andi %gather3A_378, %and3A_412 : vector<16xi32>
          %bitcast3A_414 = vector.bitcast %and3A_413 : vector<16xi32> to vector<16xf32>
          %add3A_415 = arith.addf %bitcast3A_411, %bitcast3A_414 : vector<16xf32>
          %and3A_416 = vector.broadcast %scan3A : i32 to vector<16xi32>
          %and3A_417 = arith.andi %gather3A_379, %and3A_416 : vector<16xi32>
          %bitcast3A_418 = vector.bitcast %and3A_417 : vector<16xi32> to vector<16xf32>
          %and3A_419 = vector.broadcast %scan3A : i32 to vector<16xi32>
          %and3A_420 = arith.andi %gather3A_380, %and3A_419 : vector<16xi32>
          %bitcast3A_421 = vector.bitcast %and3A_420 : vector<16xi32> to vector<16xf32>
          %add3A_422 = arith.addf %bitcast3A_418, %bitcast3A_421 : vector<16xf32>
          %add3A_423 = arith.addf %add3A_415, %add3A_422 : vector<16xf32>
          %mul3A_424 = arith.constant 11.3137083 : f32
          %mul3A_425 = vector.broadcast %mul3A_424 : f32 to vector<16xf32>
          %mul3A_426 = arith.mulf %gather3A_385, %mul3A_425 : vector<16xf32>
          %add3A_427 = arith.addf %add3A_423, %mul3A_426 : vector<16xf32>
          tpu.vector_store_idx %arg24[%add3A_145, %and3A_376], %add3A_408 : memref<128x128xf32, #tpu.memory_space<vmem>>[vector<16xi32>, vector<16xi32>], vector<16xf32>,
          %add3A_428 = arith.constant 64 : i32
          %add3A_429 = vector.broadcast %add3A_428 : i32 to vector<16xi32>
          %add3A_430 = arith.addi %and3A_376, %add3A_429 : vector<16xi32>
          tpu.vector_store_idx %arg24[%add3A_145, %add3A_430], %add3A_427 : memref<128x128xf32, #tpu.memory_space<vmem>>[vector<16xi32>, vector<16xi32>], vector<16xf32>,
          %add3A_431 = arith.addf %add3A_408, %add3A_427 : vector<16xf32>
          %add3A_432 = arith.addf %scan3A_232, %add3A_431 : vector<16xf32>
          %mul3A_433 = arith.mulf %add3A_408, %add3A_408 : vector<16xf32>
          %mul3A_434 = arith.mulf %add3A_427, %add3A_427 : vector<16xf32>
          %add3A_435 = arith.addf %mul3A_433, %mul3A_434 : vector<16xf32>
          %add3A_436 = arith.addf %scan3A_233, %add3A_435 : vector<16xf32>
          %add3A_437 = arith.constant 3 : i32
          %add3A_438 = arith.addi %mul3A_237, %add3A_437 : i32
          %add3A_439 = vector.broadcast %add3A_438 : i32 to vector<16xi32>
          %add3A_440 = arith.addi %iota3A, %add3A_439 : vector<16xi32>
          %and3A_441 = arith.constant 63 : i32
          %and3A_442 = vector.broadcast %and3A_441 : i32 to vector<16xi32>
          %and3A_443 = arith.andi %add3A_440, %and3A_442 : vector<16xi32>
          %gather3A_444 = tpu.vector_load_idx %arg12[%and3A_152, %and3A_443] : memref<75x64xi32, #tpu.memory_space<vmem>>[vector<16xi32>, vector<16xi32>], vector<16xi32>,
          %gather3A_445 = tpu.vector_load_idx %arg13[%and3A_157, %and3A_443] : memref<48x64xi32, #tpu.memory_space<vmem>>[vector<16xi32>, vector<16xi32>], vector<16xi32>,
          %gather3A_446 = tpu.vector_load_idx %arg14[%shift_right_logical3A_160, %and3A_443] : memref<48x64xi32, #tpu.memory_space<vmem>>[vector<16xi32>, vector<16xi32>], vector<16xi32>,
          %gather3A_447 = tpu.vector_load_idx %arg15[%rem3A_164, %and3A_443] : memref<200x64xi32, #tpu.memory_space<vmem>>[vector<16xi32>, vector<16xi32>], vector<16xi32>,
          %gather3A_448 = tpu.vector_load_idx %arg20[%add3A_145, %and3A_443] : memref<128x128xf32, #tpu.memory_space<vmem>>[vector<16xi32>, vector<16xi32>], vector<16xf32>,
          %add3A_449 = arith.constant 64 : i32
          %add3A_450 = vector.broadcast %add3A_449 : i32 to vector<16xi32>
          %add3A_451 = arith.addi %and3A_443, %add3A_450 : vector<16xi32>
          %gather3A_452 = tpu.vector_load_idx %arg20[%add3A_145, %add3A_451] : memref<128x128xf32, #tpu.memory_space<vmem>>[vector<16xi32>, vector<16xi32>], vector<16xf32>,
          %shift_left3A_453 = arith.constant 16 : i32
          %shift_left3A_454 = vector.broadcast %shift_left3A_453 : i32 to vector<16xi32>
          %shift_left3A_455 = arith.shli %gather3A_444, %shift_left3A_454 : vector<16xi32>
          %bitcast3A_456 = vector.bitcast %shift_left3A_455 : vector<16xi32> to vector<16xf32>
          %shift_left3A_457 = arith.constant 16 : i32
          %shift_left3A_458 = vector.broadcast %shift_left3A_457 : i32 to vector<16xi32>
          %shift_left3A_459 = arith.shli %gather3A_445, %shift_left3A_458 : vector<16xi32>
          %bitcast3A_460 = vector.bitcast %shift_left3A_459 : vector<16xi32> to vector<16xf32>
          %add3A_461 = arith.addf %bitcast3A_456, %bitcast3A_460 : vector<16xf32>
          %shift_left3A_462 = arith.constant 16 : i32
          %shift_left3A_463 = vector.broadcast %shift_left3A_462 : i32 to vector<16xi32>
          %shift_left3A_464 = arith.shli %gather3A_446, %shift_left3A_463 : vector<16xi32>
          %bitcast3A_465 = vector.bitcast %shift_left3A_464 : vector<16xi32> to vector<16xf32>
          %shift_left3A_466 = arith.constant 16 : i32
          %shift_left3A_467 = vector.broadcast %shift_left3A_466 : i32 to vector<16xi32>
          %shift_left3A_468 = arith.shli %gather3A_447, %shift_left3A_467 : vector<16xi32>
          %bitcast3A_469 = vector.bitcast %shift_left3A_468 : vector<16xi32> to vector<16xf32>
          %add3A_470 = arith.addf %bitcast3A_465, %bitcast3A_469 : vector<16xf32>
          %add3A_471 = arith.addf %add3A_461, %add3A_470 : vector<16xf32>
          %mul3A_472 = arith.constant 11.3137083 : f32
          %mul3A_473 = vector.broadcast %mul3A_472 : f32 to vector<16xf32>
          %mul3A_474 = arith.mulf %gather3A_448, %mul3A_473 : vector<16xf32>
          %add3A_475 = arith.addf %add3A_471, %mul3A_474 : vector<16xf32>
          %and3A_476 = vector.broadcast %scan3A : i32 to vector<16xi32>
          %and3A_477 = arith.andi %gather3A_444, %and3A_476 : vector<16xi32>
          %bitcast3A_478 = vector.bitcast %and3A_477 : vector<16xi32> to vector<16xf32>
          %and3A_479 = vector.broadcast %scan3A : i32 to vector<16xi32>
          %and3A_480 = arith.andi %gather3A_445, %and3A_479 : vector<16xi32>
          %bitcast3A_481 = vector.bitcast %and3A_480 : vector<16xi32> to vector<16xf32>
          %add3A_482 = arith.addf %bitcast3A_478, %bitcast3A_481 : vector<16xf32>
          %and3A_483 = vector.broadcast %scan3A : i32 to vector<16xi32>
          %and3A_484 = arith.andi %gather3A_446, %and3A_483 : vector<16xi32>
          %bitcast3A_485 = vector.bitcast %and3A_484 : vector<16xi32> to vector<16xf32>
          %and3A_486 = vector.broadcast %scan3A : i32 to vector<16xi32>
          %and3A_487 = arith.andi %gather3A_447, %and3A_486 : vector<16xi32>
          %bitcast3A_488 = vector.bitcast %and3A_487 : vector<16xi32> to vector<16xf32>
          %add3A_489 = arith.addf %bitcast3A_485, %bitcast3A_488 : vector<16xf32>
          %add3A_490 = arith.addf %add3A_482, %add3A_489 : vector<16xf32>
          %mul3A_491 = arith.constant 11.3137083 : f32
          %mul3A_492 = vector.broadcast %mul3A_491 : f32 to vector<16xf32>
          %mul3A_493 = arith.mulf %gather3A_452, %mul3A_492 : vector<16xf32>
          %add3A_494 = arith.addf %add3A_490, %mul3A_493 : vector<16xf32>
          tpu.vector_store_idx %arg24[%add3A_145, %and3A_443], %add3A_475 : memref<128x128xf32, #tpu.memory_space<vmem>>[vector<16xi32>, vector<16xi32>], vector<16xf32>,
          %add3A_495 = arith.constant 64 : i32
          %add3A_496 = vector.broadcast %add3A_495 : i32 to vector<16xi32>
          %add3A_497 = arith.addi %and3A_443, %add3A_496 : vector<16xi32>
          tpu.vector_store_idx %arg24[%add3A_145, %add3A_497], %add3A_494 : memref<128x128xf32, #tpu.memory_space<vmem>>[vector<16xi32>, vector<16xi32>], vector<16xf32>,
          %add3A_498 = arith.addf %add3A_475, %add3A_494 : vector<16xf32>
          %add3A_499 = arith.addf %scan3A_234, %add3A_498 : vector<16xf32>
          %mul3A_500 = arith.mulf %add3A_475, %add3A_475 : vector<16xf32>
          %mul3A_501 = arith.mulf %add3A_494, %add3A_494 : vector<16xf32>
          %add3A_502 = arith.addf %mul3A_500, %mul3A_501 : vector<16xf32>
          %add3A_503 = arith.addf %scan3A_235, %add3A_502 : vector<16xf32>
          scf.yield %add3A_298, %add3A_302, %add3A_365, %add3A_369, %add3A_432, %add3A_436, %add3A_499, %add3A_503 : vector<16xf32>, vector<16xf32>, vector<16xf32>, vector<16xf32>, vector<16xf32>, vector<16xf32>, vector<16xf32>, vector<16xf32>
        }
        %scan3A_172 = arith.constant 16 : i32
        %add3A_173 = arith.addf %scan3A_171#0, %scan3A_171#2 : vector<16xf32>
        %add3A_174 = arith.addf %scan3A_171#1, %scan3A_171#3 : vector<16xf32>
        %add3A_175 = arith.addf %add3A_173, %scan3A_171#4 : vector<16xf32>
        %add3A_176 = arith.addf %add3A_174, %scan3A_171#5 : vector<16xf32>
        %add3A_177 = arith.addf %add3A_175, %scan3A_171#6 : vector<16xf32>
        %add3A_178 = arith.addf %add3A_176, %scan3A_171#7 : vector<16xf32>
        %mul3A_179 = arith.constant 7.812500e-03 : f32
        %mul3A_180 = vector.broadcast %mul3A_179 : f32 to vector<16xf32>
        %mul3A_181 = arith.mulf %add3A_177, %mul3A_180 : vector<16xf32>
        %mul3A_182 = arith.constant 7.812500e-03 : f32
        %mul3A_183 = vector.broadcast %mul3A_182 : f32 to vector<16xf32>
        %mul3A_184 = arith.mulf %add3A_178, %mul3A_183 : vector<16xf32>
        %mul3A_185 = arith.mulf %mul3A_181, %mul3A_181 : vector<16xf32>
        %sub3A = arith.subf %mul3A_184, %mul3A_185 : vector<16xf32>
        %swap3A = arith.index_cast %mul3A_143 : i32 to index
        %swap3A_186 = tpu.vector_load %arg22[%swap3A] {strides = array<i32>} : memref<128xf32, #tpu.memory_space<vmem>>, vector<16xf32>,
        tpu.vector_store %arg22[%swap3A], %mul3A_181 {strides = array<i32>} : memref<128xf32, #tpu.memory_space<vmem>>, vector<16xf32>,
        %add3A_187 = arith.constant 9.99999996E-13 : f32
        %add3A_188 = vector.broadcast %add3A_187 : f32 to vector<16xf32>
        %add3A_189 = arith.addf %sub3A, %add3A_188 : vector<16xf32>
        %bitcast3A = vector.bitcast %add3A_189 : vector<16xf32> to vector<16xi32>
        %shift_right_logical3A_190 = arith.constant 1 : i32
        %shift_right_logical3A_191 = vector.broadcast %shift_right_logical3A_190 : i32 to vector<16xi32>
        %shift_right_logical3A_192 = arith.shrui %bitcast3A, %shift_right_logical3A_191 : vector<16xi32>
        %sub3A_193 = arith.constant 1597463007 : i32
        %sub3A_194 = vector.broadcast %sub3A_193 : i32 to vector<16xi32>
        %sub3A_195 = arith.subi %sub3A_194, %shift_right_logical3A_192 : vector<16xi32>
        %bitcast3A_196 = vector.bitcast %sub3A_195 : vector<16xi32> to vector<16xf32>
        %mul3A_197 = arith.constant 5.000000e-01 : f32
        %mul3A_198 = vector.broadcast %mul3A_197 : f32 to vector<16xf32>
        %mul3A_199 = arith.mulf %mul3A_198, %add3A_189 : vector<16xf32>
        %mul3A_200 = arith.mulf %mul3A_199, %bitcast3A_196 : vector<16xf32>
        %mul3A_201 = arith.mulf %mul3A_200, %bitcast3A_196 : vector<16xf32>
        %sub3A_202 = arith.constant 1.500000e+00 : f32
        %sub3A_203 = vector.broadcast %sub3A_202 : f32 to vector<16xf32>
        %sub3A_204 = arith.subf %sub3A_203, %mul3A_201 : vector<16xf32>
        %mul3A_205 = arith.mulf %bitcast3A_196, %sub3A_204 : vector<16xf32>
        %mul3A_206 = arith.constant 5.000000e-01 : f32
        %mul3A_207 = vector.broadcast %mul3A_206 : f32 to vector<16xf32>
        %mul3A_208 = arith.mulf %mul3A_207, %add3A_189 : vector<16xf32>
        %mul3A_209 = arith.mulf %mul3A_208, %mul3A_205 : vector<16xf32>
        %mul3A_210 = arith.mulf %mul3A_209, %mul3A_205 : vector<16xf32>
        %sub3A_211 = arith.constant 1.500000e+00 : f32
        %sub3A_212 = vector.broadcast %sub3A_211 : f32 to vector<16xf32>
        %sub3A_213 = arith.subf %sub3A_212, %mul3A_210 : vector<16xf32>
        %mul3A_214 = arith.mulf %mul3A_205, %sub3A_213 : vector<16xf32>
        %mul3A_215 = arith.constant 5.000000e-01 : f32
        %mul3A_216 = vector.broadcast %mul3A_215 : f32 to vector<16xf32>
        %mul3A_217 = arith.mulf %mul3A_216, %add3A_189 : vector<16xf32>
        %mul3A_218 = arith.mulf %mul3A_217, %mul3A_214 : vector<16xf32>
        %mul3A_219 = arith.mulf %mul3A_218, %mul3A_214 : vector<16xf32>
        %sub3A_220 = arith.constant 1.500000e+00 : f32
        %sub3A_221 = vector.broadcast %sub3A_220 : f32 to vector<16xf32>
        %sub3A_222 = arith.subf %sub3A_221, %mul3A_219 : vector<16xf32>
        %mul3A_223 = arith.mulf %mul3A_214, %sub3A_222 : vector<16xf32>
        %swap3A_224 = arith.index_cast %mul3A_143 : i32 to index
        %swap3A_225 = tpu.vector_load %arg23[%swap3A_224] {strides = array<i32>} : memref<128xf32, #tpu.memory_space<vmem>>, vector<16xf32>,
        tpu.vector_store %arg23[%swap3A_224], %mul3A_223 {strides = array<i32>} : memref<128xf32, #tpu.memory_space<vmem>>, vector<16xf32>,
        %scan3A_226 = arith.constant 0 : i32
        scf.yield %scan3A_226 : i32
      }
      %scan3A_84 = arith.constant 8 : i32
      %scan3A_85 = arith.constant 0 : i32
      %scan3A_86 = arith.constant 0 : i32
      %scan3A_87 = arith.constant 128 : i32
      %scan3A_88 = arith.addi %scan3A_86, %scan3A_87 : i32
      %scan3A_89 = arith.constant 1 : i32
      %scan3A_90 = scf.for %scan3A_140 = %scan3A_86 to %scan3A_88 step %scan3A_89 iter_args(%scan3A_141 = %scan3A_85) -> (i32)  : i32 {
        %add3A_142 = vector.broadcast %scan3A_140 : i32 to vector<16xi32>
        %add3A_143 = arith.addi %broadcast_in_dim3A_3, %add3A_142 : vector<16xi32>
        %gather3A = tpu.vector_load_idx %arg22[%add3A_143] : memref<128xf32, #tpu.memory_space<vmem>>[vector<16xi32>], vector<16xf32>,
        %gather3A_144 = tpu.vector_load_idx %arg23[%add3A_143] : memref<128xf32, #tpu.memory_space<vmem>>[vector<16xi32>], vector<16xf32>,
        %get3A_145 = arith.index_cast %scan3A_140 : i32 to index
        %get3A_146 = arith.constant 0 : index
        %get3A_147 = tpu.vector_load %arg24[%get3A_145, %get3A_146] {strides = array<i32>} : memref<128x128xf32, #tpu.memory_space<vmem>>, vector<16xf32>,
        %sub3A = arith.subf %get3A_147, %gather3A : vector<16xf32>
        %mul3A_148 = arith.mulf %sub3A, %gather3A_144 : vector<16xf32>
        %mul3A_149 = arith.mulf %mul3A_148, %get3A_4 : vector<16xf32>
        %add3A_150 = arith.addf %mul3A_149, %get3A_20 : vector<16xf32>
        %swap3A = arith.index_cast %scan3A_140 : i32 to index
        %swap3A_151 = arith.constant 0 : index
        %swap3A_152 = tpu.vector_load %arg24[%swap3A, %swap3A_151] {strides = array<i32>} : memref<128x128xf32, #tpu.memory_space<vmem>>, vector<16xf32>,
        tpu.vector_store %arg24[%swap3A, %swap3A_151], %add3A_150 {strides = array<i32>} : memref<128x128xf32, #tpu.memory_space<vmem>>, vector<16xf32>,
        %get3A_153 = arith.index_cast %scan3A_140 : i32 to index
        %get3A_154 = arith.constant 16 : index
        %get3A_155 = tpu.vector_load %arg24[%get3A_153, %get3A_154] {strides = array<i32>} : memref<128x128xf32, #tpu.memory_space<vmem>>, vector<16xf32>,
        %sub3A_156 = arith.subf %get3A_155, %gather3A : vector<16xf32>
        %mul3A_157 = arith.mulf %sub3A_156, %gather3A_144 : vector<16xf32>
        %mul3A_158 = arith.mulf %mul3A_157, %get3A_6 : vector<16xf32>
        %add3A_159 = arith.addf %mul3A_158, %get3A_22 : vector<16xf32>
        %swap3A_160 = arith.index_cast %scan3A_140 : i32 to index
        %swap3A_161 = arith.constant 16 : index
        %swap3A_162 = tpu.vector_load %arg24[%swap3A_160, %swap3A_161] {strides = array<i32>} : memref<128x128xf32, #tpu.memory_space<vmem>>, vector<16xf32>,
        tpu.vector_store %arg24[%swap3A_160, %swap3A_161], %add3A_159 {strides = array<i32>} : memref<128x128xf32, #tpu.memory_space<vmem>>, vector<16xf32>,
        %get3A_163 = arith.index_cast %scan3A_140 : i32 to index
        %get3A_164 = arith.constant 32 : index
        %get3A_165 = tpu.vector_load %arg24[%get3A_163, %get3A_164] {strides = array<i32>} : memref<128x128xf32, #tpu.memory_space<vmem>>, vector<16xf32>,
        %sub3A_166 = arith.subf %get3A_165, %gather3A : vector<16xf32>
        %mul3A_167 = arith.mulf %sub3A_166, %gather3A_144 : vector<16xf32>
        %mul3A_168 = arith.mulf %mul3A_167, %get3A_8 : vector<16xf32>
        %add3A_169 = arith.addf %mul3A_168, %get3A_24 : vector<16xf32>
        %swap3A_170 = arith.index_cast %scan3A_140 : i32 to index
        %swap3A_171 = arith.constant 32 : index
        %swap3A_172 = tpu.vector_load %arg24[%swap3A_170, %swap3A_171] {strides = array<i32>} : memref<128x128xf32, #tpu.memory_space<vmem>>, vector<16xf32>,
        tpu.vector_store %arg24[%swap3A_170, %swap3A_171], %add3A_169 {strides = array<i32>} : memref<128x128xf32, #tpu.memory_space<vmem>>, vector<16xf32>,
        %get3A_173 = arith.index_cast %scan3A_140 : i32 to index
        %get3A_174 = arith.constant 48 : index
        %get3A_175 = tpu.vector_load %arg24[%get3A_173, %get3A_174] {strides = array<i32>} : memref<128x128xf32, #tpu.memory_space<vmem>>, vector<16xf32>,
        %sub3A_176 = arith.subf %get3A_175, %gather3A : vector<16xf32>
        %mul3A_177 = arith.mulf %sub3A_176, %gather3A_144 : vector<16xf32>
        %mul3A_178 = arith.mulf %mul3A_177, %get3A_10 : vector<16xf32>
        %add3A_179 = arith.addf %mul3A_178, %get3A_26 : vector<16xf32>
        %swap3A_180 = arith.index_cast %scan3A_140 : i32 to index
        %swap3A_181 = arith.constant 48 : index
        %swap3A_182 = tpu.vector_load %arg24[%swap3A_180, %swap3A_181] {strides = array<i32>} : memref<128x128xf32, #tpu.memory_space<vmem>>, vector<16xf32>,
        tpu.vector_store %arg24[%swap3A_180, %swap3A_181], %add3A_179 {strides = array<i32>} : memref<128x128xf32, #tpu.memory_space<vmem>>, vector<16xf32>,
        %get3A_183 = arith.index_cast %scan3A_140 : i32 to index
        %get3A_184 = arith.constant 64 : index
        %get3A_185 = tpu.vector_load %arg24[%get3A_183, %get3A_184] {strides = array<i32>} : memref<128x128xf32, #tpu.memory_space<vmem>>, vector<16xf32>,
        %sub3A_186 = arith.subf %get3A_185, %gather3A : vector<16xf32>
        %mul3A_187 = arith.mulf %sub3A_186, %gather3A_144 : vector<16xf32>
        %mul3A_188 = arith.mulf %mul3A_187, %get3A_12 : vector<16xf32>
        %add3A_189 = arith.addf %mul3A_188, %get3A_28 : vector<16xf32>
        %swap3A_190 = arith.index_cast %scan3A_140 : i32 to index
        %swap3A_191 = arith.constant 64 : index
        %swap3A_192 = tpu.vector_load %arg24[%swap3A_190, %swap3A_191] {strides = array<i32>} : memref<128x128xf32, #tpu.memory_space<vmem>>, vector<16xf32>,
        tpu.vector_store %arg24[%swap3A_190, %swap3A_191], %add3A_189 {strides = array<i32>} : memref<128x128xf32, #tpu.memory_space<vmem>>, vector<16xf32>,
        %get3A_193 = arith.index_cast %scan3A_140 : i32 to index
        %get3A_194 = arith.constant 80 : index
        %get3A_195 = tpu.vector_load %arg24[%get3A_193, %get3A_194] {strides = array<i32>} : memref<128x128xf32, #tpu.memory_space<vmem>>, vector<16xf32>,
        %sub3A_196 = arith.subf %get3A_195, %gather3A : vector<16xf32>
        %mul3A_197 = arith.mulf %sub3A_196, %gather3A_144 : vector<16xf32>
        %mul3A_198 = arith.mulf %mul3A_197, %get3A_14 : vector<16xf32>
        %add3A_199 = arith.addf %mul3A_198, %get3A_30 : vector<16xf32>
        %swap3A_200 = arith.index_cast %scan3A_140 : i32 to index
        %swap3A_201 = arith.constant 80 : index
        %swap3A_202 = tpu.vector_load %arg24[%swap3A_200, %swap3A_201] {strides = array<i32>} : memref<128x128xf32, #tpu.memory_space<vmem>>, vector<16xf32>,
        tpu.vector_store %arg24[%swap3A_200, %swap3A_201], %add3A_199 {strides = array<i32>} : memref<128x128xf32, #tpu.memory_space<vmem>>, vector<16xf32>,
        %get3A_203 = arith.index_cast %scan3A_140 : i32 to index
        %get3A_204 = arith.constant 96 : index
        %get3A_205 = tpu.vector_load %arg24[%get3A_203, %get3A_204] {strides = array<i32>} : memref<128x128xf32, #tpu.memory_space<vmem>>, vector<16xf32>,
        %sub3A_206 = arith.subf %get3A_205, %gather3A : vector<16xf32>
        %mul3A_207 = arith.mulf %sub3A_206, %gather3A_144 : vector<16xf32>
        %mul3A_208 = arith.mulf %mul3A_207, %get3A_16 : vector<16xf32>
        %add3A_209 = arith.addf %mul3A_208, %get3A_32 : vector<16xf32>
        %swap3A_210 = arith.index_cast %scan3A_140 : i32 to index
        %swap3A_211 = arith.constant 96 : index
        %swap3A_212 = tpu.vector_load %arg24[%swap3A_210, %swap3A_211] {strides = array<i32>} : memref<128x128xf32, #tpu.memory_space<vmem>>, vector<16xf32>,
        tpu.vector_store %arg24[%swap3A_210, %swap3A_211], %add3A_209 {strides = array<i32>} : memref<128x128xf32, #tpu.memory_space<vmem>>, vector<16xf32>,
        %get3A_213 = arith.index_cast %scan3A_140 : i32 to index
        %get3A_214 = arith.constant 112 : index
        %get3A_215 = tpu.vector_load %arg24[%get3A_213, %get3A_214] {strides = array<i32>} : memref<128x128xf32, #tpu.memory_space<vmem>>, vector<16xf32>,
        %sub3A_216 = arith.subf %get3A_215, %gather3A : vector<16xf32>
        %mul3A_217 = arith.mulf %sub3A_216, %gather3A_144 : vector<16xf32>
        %mul3A_218 = arith.mulf %mul3A_217, %get3A_18 : vector<16xf32>
        %add3A_219 = arith.addf %mul3A_218, %get3A_34 : vector<16xf32>
        %swap3A_220 = arith.index_cast %scan3A_140 : i32 to index
        %swap3A_221 = arith.constant 112 : index
        %swap3A_222 = tpu.vector_load %arg24[%swap3A_220, %swap3A_221] {strides = array<i32>} : memref<128x128xf32, #tpu.memory_space<vmem>>, vector<16xf32>,
        tpu.vector_store %arg24[%swap3A_220, %swap3A_221], %add3A_219 {strides = array<i32>} : memref<128x128xf32, #tpu.memory_space<vmem>>, vector<16xf32>,
        %scan3A_223 = arith.constant 0 : i32
        scf.yield %scan3A_223 : i32
      }
      %scan3A_91 = arith.constant 128 : i32
      %dma_start3A_92 = arith.constant 0 : i32
      %dma_start3A_93 = tpu.memref_slice %arg11[%add3A_77, %dma_start3A_92] : memref<204800x128xf32, #tpu.memory_space<hbm>> -> memref<128x128xf32, #tpu.memory_space<hbm>>
      %dma_start3A_94 = arith.constant 0 : i32
      %dma_start3A_95 = tpu.memref_slice %arg11[%add3A_77, %dma_start3A_94] : memref<204800x128xf32, #tpu.memory_space<hbm>> -> memref<128x128xf32, #tpu.memory_space<hbm>>
      tpu.enqueue_dma source(%arg24 : memref<128x128xf32, #tpu.memory_space<vmem>>) target(%dma_start3A_95 : memref<128x128xf32, #tpu.memory_space<hbm>>) target_semaphore(%arg28 : memref<!tpu.dma_semaphore, #tpu.memory_space<semaphore_mem>>)
      %mul3A_96 = arith.constant 2 : i32
      %mul3A_97 = arith.muli %scan3A_57, %mul3A_96 : i32
      %add3A_98 = arith.constant 1 : i32
      %add3A_99 = arith.addi %mul3A_97, %add3A_98 : i32
      %add3A_100 = arith.constant 1 : i32
      %add3A_101 = arith.addi %add3A_99, %add3A_100 : i32
      %lt3A_102 = arith.constant 50 : i32
      %lt3A_103 = arith.cmpi slt, %add3A_101, %lt3A_102 : i32
      %convert_element_type3A_104 = arith.extui %lt3A_103 : i1 to i32
      %cond3A_105 = arith.constant 0 : i32
      %cond3A_106 = arith.cmpi ne, %convert_element_type3A_104, %cond3A_105 : i32
      scf.if %cond3A_106 {
        %add3A_140 = arith.constant 1 : i32
        %add3A_141 = arith.addi %add3A_99, %add3A_140 : i32
        %mul3A_142 = arith.constant 128 : i32
        %mul3A_143 = arith.muli %add3A_141, %mul3A_142 : i32
        %dma_start3A_144 = tpu.memref_slice %arg19[%mul3A_143] : memref<6400xi32, #tpu.memory_space<vmem>> -> memref<128xi32, #tpu.memory_space<vmem>>
        %dma_start3A_145 = arith.constant 0 : i32
        %dma_start3A_146 = arith.constant 0 : i32
        %dma_start3A_147 = tpu.memref_slice %arg6[%dma_start3A_145, %dma_start3A_146] : memref<100000x128xf32, #tpu.memory_space<hbm>> -> memref<100000x128xf32, #tpu.memory_space<hbm>>
        tpu.enqueue_indirect_dma source(%dma_start3A_147 : memref<100000x128xf32, #tpu.memory_space<hbm>>) target(%arg20 : memref<128x128xf32, #tpu.memory_space<vmem>>) offsets(%dma_start3A_144 : memref<128xi32, #tpu.memory_space<vmem>>) semaphore(%arg26 : memref<!tpu.dma_semaphore, #tpu.memory_space<semaphore_mem>>)
      } else {
      }
      %dma_wait3A_107 = arith.constant 0 : i32
      %dma_wait3A_108 = arith.constant 0 : i32
      %dma_wait3A_109 = tpu.memref_slice %arg6[%dma_wait3A_107, %dma_wait3A_108] : memref<100000x128xf32, #tpu.memory_space<hbm>> -> memref<128x128xf32, #tpu.memory_space<hbm>>
      %dma_wait3A_110 = arith.constant 0 : i32
      %dma_wait3A_111 = arith.constant 0 : i32
      %dma_wait3A_112 = tpu.memref_slice %arg6[%dma_wait3A_110, %dma_wait3A_111] : memref<100000x128xf32, #tpu.memory_space<hbm>> -> memref<128x128xf32, #tpu.memory_space<hbm>>
      tpu.wait_dma2 semaphore(%arg27 : memref<!tpu.dma_semaphore, #tpu.memory_space<semaphore_mem>>) src(%dma_wait3A_112 : memref<128x128xf32, #tpu.memory_space<hbm>>) dst(%arg21 : memref<128x128xf32, #tpu.memory_space<vmem>>)
      %ge3A_113 = arith.constant 2 : i32
      %ge3A_114 = arith.cmpi sge, %add3A_99, %ge3A_113 : i32
      %convert_element_type3A_115 = arith.extui %ge3A_114 : i1 to i32
      %cond3A_116 = arith.constant 0 : i32
      %cond3A_117 = arith.cmpi ne, %convert_element_type3A_115, %cond3A_116 : i32
      scf.if %cond3A_117 {
        %dma_wait3A_140 = arith.constant 0 : i32
        %dma_wait3A_141 = arith.constant 0 : i32
        %dma_wait3A_142 = tpu.memref_slice %arg11[%dma_wait3A_140, %dma_wait3A_141] : memref<204800x128xf32, #tpu.memory_space<hbm>> -> memref<128x128xf32, #tpu.memory_space<hbm>>
        %dma_wait3A_143 = arith.constant 0 : i32
        %dma_wait3A_144 = arith.constant 0 : i32
        %dma_wait3A_145 = tpu.memref_slice %arg11[%dma_wait3A_143, %dma_wait3A_144] : memref<204800x128xf32, #tpu.memory_space<hbm>> -> memref<128x128xf32, #tpu.memory_space<hbm>>
        tpu.wait_dma2 semaphore(%arg29 : memref<!tpu.dma_semaphore, #tpu.memory_space<semaphore_mem>>) src(%arg25 : memref<128x128xf32, #tpu.memory_space<vmem>>) dst(%dma_wait3A_145 : memref<128x128xf32, #tpu.memory_space<hbm>>)
      } else {
      }
      %mul3A_118 = arith.constant 128 : i32
      %mul3A_119 = arith.muli %add3A_99, %mul3A_118 : i32
      %add3A_120 = arith.addi %mul3A_2, %mul3A_119 : i32
      %scan3A_121 = arith.constant 0 : i32
      %scan3A_122 = arith.constant 0 : i32
      %scan3A_123 = arith.constant 8 : i32
      %scan3A_124 = arith.addi %scan3A_122, %scan3A_123 : i32
      %scan3A_125 = arith.constant 1 : i32
      %scan3A_126 = scf.for %scan3A_140 = %scan3A_122 to %scan3A_124 step %scan3A_125 iter_args(%scan3A_141 = %scan3A_121) -> (i32)  : i32 {
        %mul3A_142 = arith.constant 16 : i32
        %mul3A_143 = arith.muli %scan3A_140, %mul3A_142 : i32
        %add3A_144 = vector.broadcast %mul3A_143 : i32 to vector<16xi32>
        %add3A_145 = arith.addi %add3A_144, %iota3A : vector<16xi32>
        %mul3A_146 = arith.constant 128 : i32
        %mul3A_147 = arith.muli %add3A_99, %mul3A_146 : i32
        %add3A_148 = arith.addi %mul3A_147, %mul3A_143 : i32
        %get3A_149 = arith.index_cast %add3A_148 : i32 to index
        %get3A_150 = tpu.vector_load %arg18[%get3A_149] {strides = array<i32>} : memref<6400xi32, #tpu.memory_space<vmem>>, vector<16xi32>,
        %and3A = arith.constant 127 : i32
        %and3A_151 = vector.broadcast %and3A : i32 to vector<16xi32>
        %and3A_152 = arith.andi %get3A_150, %and3A_151 : vector<16xi32>
        %shift_right_logical3A = arith.constant 7 : i32
        %shift_right_logical3A_153 = vector.broadcast %shift_right_logical3A : i32 to vector<16xi32>
        %shift_right_logical3A_154 = arith.shrui %get3A_150, %shift_right_logical3A_153 : vector<16xi32>
        %and3A_155 = arith.constant 63 : i32
        %and3A_156 = vector.broadcast %and3A_155 : i32 to vector<16xi32>
        %and3A_157 = arith.andi %shift_right_logical3A_154, %and3A_156 : vector<16xi32>
        %shift_right_logical3A_158 = arith.constant 13 : i32
        %shift_right_logical3A_159 = vector.broadcast %shift_right_logical3A_158 : i32 to vector<16xi32>
        %shift_right_logical3A_160 = arith.shrui %get3A_150, %shift_right_logical3A_159 : vector<16xi32>
        %add3A_161 = vector.broadcast %add3A_120 : i32 to vector<16xi32>
        %add3A_162 = arith.addi %add3A_161, %add3A_145 : vector<16xi32>
        %rem3A = arith.constant 200 : i32
        %rem3A_163 = vector.broadcast %rem3A : i32 to vector<16xi32>
        %rem3A_164 = arith.remsi %add3A_162, %rem3A_163 : vector<16xi32>
        %broadcast_in_dim3A_165 = arith.constant 0.000000e+00 : f32
        %broadcast_in_dim3A_166 = vector.broadcast %broadcast_in_dim3A_165 : f32 to vector<16xf32>
        %scan3A_167 = arith.constant 0 : i32
        %scan3A_168 = arith.constant 16 : i32
        %scan3A_169 = arith.addi %scan3A_167, %scan3A_168 : i32
        %scan3A_170 = arith.constant 1 : i32
        %scan3A_171:8 = scf.for %scan3A_227 = %scan3A_167 to %scan3A_169 step %scan3A_170 iter_args(%scan3A_228 = %broadcast_in_dim3A_166, %scan3A_229 = %broadcast_in_dim3A_166, %scan3A_230 = %broadcast_in_dim3A_166, %scan3A_231 = %broadcast_in_dim3A_166, %scan3A_232 = %broadcast_in_dim3A_166, %scan3A_233 = %broadcast_in_dim3A_166, %scan3A_234 = %broadcast_in_dim3A_166, %scan3A_235 = %broadcast_in_dim3A_166) -> (vector<16xf32>, vector<16xf32>, vector<16xf32>, vector<16xf32>, vector<16xf32>, vector<16xf32>, vector<16xf32>, vector<16xf32>)  : i32 {
          %mul3A_236 = arith.constant 4 : i32
          %mul3A_237 = arith.muli %scan3A_227, %mul3A_236 : i32
          %add3A_238 = arith.constant 0 : i32
          %add3A_239 = arith.addi %mul3A_237, %add3A_238 : i32
          %add3A_240 = vector.broadcast %add3A_239 : i32 to vector<16xi32>
          %add3A_241 = arith.addi %iota3A, %add3A_240 : vector<16xi32>
          %and3A_242 = arith.constant 63 : i32
          %and3A_243 = vector.broadcast %and3A_242 : i32 to vector<16xi32>
          %and3A_244 = arith.andi %add3A_241, %and3A_243 : vector<16xi32>
          %gather3A = tpu.vector_load_idx %arg12[%and3A_152, %and3A_244] : memref<75x64xi32, #tpu.memory_space<vmem>>[vector<16xi32>, vector<16xi32>], vector<16xi32>,
          %gather3A_245 = tpu.vector_load_idx %arg13[%and3A_157, %and3A_244] : memref<48x64xi32, #tpu.memory_space<vmem>>[vector<16xi32>, vector<16xi32>], vector<16xi32>,
          %gather3A_246 = tpu.vector_load_idx %arg14[%shift_right_logical3A_160, %and3A_244] : memref<48x64xi32, #tpu.memory_space<vmem>>[vector<16xi32>, vector<16xi32>], vector<16xi32>,
          %gather3A_247 = tpu.vector_load_idx %arg15[%rem3A_164, %and3A_244] : memref<200x64xi32, #tpu.memory_space<vmem>>[vector<16xi32>, vector<16xi32>], vector<16xi32>,
          %gather3A_248 = tpu.vector_load_idx %arg21[%add3A_145, %and3A_244] : memref<128x128xf32, #tpu.memory_space<vmem>>[vector<16xi32>, vector<16xi32>], vector<16xf32>,
          %add3A_249 = arith.constant 64 : i32
          %add3A_250 = vector.broadcast %add3A_249 : i32 to vector<16xi32>
          %add3A_251 = arith.addi %and3A_244, %add3A_250 : vector<16xi32>
          %gather3A_252 = tpu.vector_load_idx %arg21[%add3A_145, %add3A_251] : memref<128x128xf32, #tpu.memory_space<vmem>>[vector<16xi32>, vector<16xi32>], vector<16xf32>,
          %shift_left3A = arith.constant 16 : i32
          %shift_left3A_253 = vector.broadcast %shift_left3A : i32 to vector<16xi32>
          %shift_left3A_254 = arith.shli %gather3A, %shift_left3A_253 : vector<16xi32>
          %bitcast3A_255 = vector.bitcast %shift_left3A_254 : vector<16xi32> to vector<16xf32>
          %shift_left3A_256 = arith.constant 16 : i32
          %shift_left3A_257 = vector.broadcast %shift_left3A_256 : i32 to vector<16xi32>
          %shift_left3A_258 = arith.shli %gather3A_245, %shift_left3A_257 : vector<16xi32>
          %bitcast3A_259 = vector.bitcast %shift_left3A_258 : vector<16xi32> to vector<16xf32>
          %add3A_260 = arith.addf %bitcast3A_255, %bitcast3A_259 : vector<16xf32>
          %shift_left3A_261 = arith.constant 16 : i32
          %shift_left3A_262 = vector.broadcast %shift_left3A_261 : i32 to vector<16xi32>
          %shift_left3A_263 = arith.shli %gather3A_246, %shift_left3A_262 : vector<16xi32>
          %bitcast3A_264 = vector.bitcast %shift_left3A_263 : vector<16xi32> to vector<16xf32>
          %shift_left3A_265 = arith.constant 16 : i32
          %shift_left3A_266 = vector.broadcast %shift_left3A_265 : i32 to vector<16xi32>
          %shift_left3A_267 = arith.shli %gather3A_247, %shift_left3A_266 : vector<16xi32>
          %bitcast3A_268 = vector.bitcast %shift_left3A_267 : vector<16xi32> to vector<16xf32>
          %add3A_269 = arith.addf %bitcast3A_264, %bitcast3A_268 : vector<16xf32>
          %add3A_270 = arith.addf %add3A_260, %add3A_269 : vector<16xf32>
          %mul3A_271 = arith.constant 11.3137083 : f32
          %mul3A_272 = vector.broadcast %mul3A_271 : f32 to vector<16xf32>
          %mul3A_273 = arith.mulf %gather3A_248, %mul3A_272 : vector<16xf32>
          %add3A_274 = arith.addf %add3A_270, %mul3A_273 : vector<16xf32>
          %and3A_275 = vector.broadcast %scan3A : i32 to vector<16xi32>
          %and3A_276 = arith.andi %gather3A, %and3A_275 : vector<16xi32>
          %bitcast3A_277 = vector.bitcast %and3A_276 : vector<16xi32> to vector<16xf32>
          %and3A_278 = vector.broadcast %scan3A : i32 to vector<16xi32>
          %and3A_279 = arith.andi %gather3A_245, %and3A_278 : vector<16xi32>
          %bitcast3A_280 = vector.bitcast %and3A_279 : vector<16xi32> to vector<16xf32>
          %add3A_281 = arith.addf %bitcast3A_277, %bitcast3A_280 : vector<16xf32>
          %and3A_282 = vector.broadcast %scan3A : i32 to vector<16xi32>
          %and3A_283 = arith.andi %gather3A_246, %and3A_282 : vector<16xi32>
          %bitcast3A_284 = vector.bitcast %and3A_283 : vector<16xi32> to vector<16xf32>
          %and3A_285 = vector.broadcast %scan3A : i32 to vector<16xi32>
          %and3A_286 = arith.andi %gather3A_247, %and3A_285 : vector<16xi32>
          %bitcast3A_287 = vector.bitcast %and3A_286 : vector<16xi32> to vector<16xf32>
          %add3A_288 = arith.addf %bitcast3A_284, %bitcast3A_287 : vector<16xf32>
          %add3A_289 = arith.addf %add3A_281, %add3A_288 : vector<16xf32>
          %mul3A_290 = arith.constant 11.3137083 : f32
          %mul3A_291 = vector.broadcast %mul3A_290 : f32 to vector<16xf32>
          %mul3A_292 = arith.mulf %gather3A_252, %mul3A_291 : vector<16xf32>
          %add3A_293 = arith.addf %add3A_289, %mul3A_292 : vector<16xf32>
          tpu.vector_store_idx %arg25[%add3A_145, %and3A_244], %add3A_274 : memref<128x128xf32, #tpu.memory_space<vmem>>[vector<16xi32>, vector<16xi32>], vector<16xf32>,
          %add3A_294 = arith.constant 64 : i32
          %add3A_295 = vector.broadcast %add3A_294 : i32 to vector<16xi32>
          %add3A_296 = arith.addi %and3A_244, %add3A_295 : vector<16xi32>
          tpu.vector_store_idx %arg25[%add3A_145, %add3A_296], %add3A_293 : memref<128x128xf32, #tpu.memory_space<vmem>>[vector<16xi32>, vector<16xi32>], vector<16xf32>,
          %add3A_297 = arith.addf %add3A_274, %add3A_293 : vector<16xf32>
          %add3A_298 = arith.addf %scan3A_228, %add3A_297 : vector<16xf32>
          %mul3A_299 = arith.mulf %add3A_274, %add3A_274 : vector<16xf32>
          %mul3A_300 = arith.mulf %add3A_293, %add3A_293 : vector<16xf32>
          %add3A_301 = arith.addf %mul3A_299, %mul3A_300 : vector<16xf32>
          %add3A_302 = arith.addf %scan3A_229, %add3A_301 : vector<16xf32>
          %add3A_303 = arith.constant 1 : i32
          %add3A_304 = arith.addi %mul3A_237, %add3A_303 : i32
          %add3A_305 = vector.broadcast %add3A_304 : i32 to vector<16xi32>
          %add3A_306 = arith.addi %iota3A, %add3A_305 : vector<16xi32>
          %and3A_307 = arith.constant 63 : i32
          %and3A_308 = vector.broadcast %and3A_307 : i32 to vector<16xi32>
          %and3A_309 = arith.andi %add3A_306, %and3A_308 : vector<16xi32>
          %gather3A_310 = tpu.vector_load_idx %arg12[%and3A_152, %and3A_309] : memref<75x64xi32, #tpu.memory_space<vmem>>[vector<16xi32>, vector<16xi32>], vector<16xi32>,
          %gather3A_311 = tpu.vector_load_idx %arg13[%and3A_157, %and3A_309] : memref<48x64xi32, #tpu.memory_space<vmem>>[vector<16xi32>, vector<16xi32>], vector<16xi32>,
          %gather3A_312 = tpu.vector_load_idx %arg14[%shift_right_logical3A_160, %and3A_309] : memref<48x64xi32, #tpu.memory_space<vmem>>[vector<16xi32>, vector<16xi32>], vector<16xi32>,
          %gather3A_313 = tpu.vector_load_idx %arg15[%rem3A_164, %and3A_309] : memref<200x64xi32, #tpu.memory_space<vmem>>[vector<16xi32>, vector<16xi32>], vector<16xi32>,
          %gather3A_314 = tpu.vector_load_idx %arg21[%add3A_145, %and3A_309] : memref<128x128xf32, #tpu.memory_space<vmem>>[vector<16xi32>, vector<16xi32>], vector<16xf32>,
          %add3A_315 = arith.constant 64 : i32
          %add3A_316 = vector.broadcast %add3A_315 : i32 to vector<16xi32>
          %add3A_317 = arith.addi %and3A_309, %add3A_316 : vector<16xi32>
          %gather3A_318 = tpu.vector_load_idx %arg21[%add3A_145, %add3A_317] : memref<128x128xf32, #tpu.memory_space<vmem>>[vector<16xi32>, vector<16xi32>], vector<16xf32>,
          %shift_left3A_319 = arith.constant 16 : i32
          %shift_left3A_320 = vector.broadcast %shift_left3A_319 : i32 to vector<16xi32>
          %shift_left3A_321 = arith.shli %gather3A_310, %shift_left3A_320 : vector<16xi32>
          %bitcast3A_322 = vector.bitcast %shift_left3A_321 : vector<16xi32> to vector<16xf32>
          %shift_left3A_323 = arith.constant 16 : i32
          %shift_left3A_324 = vector.broadcast %shift_left3A_323 : i32 to vector<16xi32>
          %shift_left3A_325 = arith.shli %gather3A_311, %shift_left3A_324 : vector<16xi32>
          %bitcast3A_326 = vector.bitcast %shift_left3A_325 : vector<16xi32> to vector<16xf32>
          %add3A_327 = arith.addf %bitcast3A_322, %bitcast3A_326 : vector<16xf32>
          %shift_left3A_328 = arith.constant 16 : i32
          %shift_left3A_329 = vector.broadcast %shift_left3A_328 : i32 to vector<16xi32>
          %shift_left3A_330 = arith.shli %gather3A_312, %shift_left3A_329 : vector<16xi32>
          %bitcast3A_331 = vector.bitcast %shift_left3A_330 : vector<16xi32> to vector<16xf32>
          %shift_left3A_332 = arith.constant 16 : i32
          %shift_left3A_333 = vector.broadcast %shift_left3A_332 : i32 to vector<16xi32>
          %shift_left3A_334 = arith.shli %gather3A_313, %shift_left3A_333 : vector<16xi32>
          %bitcast3A_335 = vector.bitcast %shift_left3A_334 : vector<16xi32> to vector<16xf32>
          %add3A_336 = arith.addf %bitcast3A_331, %bitcast3A_335 : vector<16xf32>
          %add3A_337 = arith.addf %add3A_327, %add3A_336 : vector<16xf32>
          %mul3A_338 = arith.constant 11.3137083 : f32
          %mul3A_339 = vector.broadcast %mul3A_338 : f32 to vector<16xf32>
          %mul3A_340 = arith.mulf %gather3A_314, %mul3A_339 : vector<16xf32>
          %add3A_341 = arith.addf %add3A_337, %mul3A_340 : vector<16xf32>
          %and3A_342 = vector.broadcast %scan3A : i32 to vector<16xi32>
          %and3A_343 = arith.andi %gather3A_310, %and3A_342 : vector<16xi32>
          %bitcast3A_344 = vector.bitcast %and3A_343 : vector<16xi32> to vector<16xf32>
          %and3A_345 = vector.broadcast %scan3A : i32 to vector<16xi32>
          %and3A_346 = arith.andi %gather3A_311, %and3A_345 : vector<16xi32>
          %bitcast3A_347 = vector.bitcast %and3A_346 : vector<16xi32> to vector<16xf32>
          %add3A_348 = arith.addf %bitcast3A_344, %bitcast3A_347 : vector<16xf32>
          %and3A_349 = vector.broadcast %scan3A : i32 to vector<16xi32>
          %and3A_350 = arith.andi %gather3A_312, %and3A_349 : vector<16xi32>
          %bitcast3A_351 = vector.bitcast %and3A_350 : vector<16xi32> to vector<16xf32>
          %and3A_352 = vector.broadcast %scan3A : i32 to vector<16xi32>
          %and3A_353 = arith.andi %gather3A_313, %and3A_352 : vector<16xi32>
          %bitcast3A_354 = vector.bitcast %and3A_353 : vector<16xi32> to vector<16xf32>
          %add3A_355 = arith.addf %bitcast3A_351, %bitcast3A_354 : vector<16xf32>
          %add3A_356 = arith.addf %add3A_348, %add3A_355 : vector<16xf32>
          %mul3A_357 = arith.constant 11.3137083 : f32
          %mul3A_358 = vector.broadcast %mul3A_357 : f32 to vector<16xf32>
          %mul3A_359 = arith.mulf %gather3A_318, %mul3A_358 : vector<16xf32>
          %add3A_360 = arith.addf %add3A_356, %mul3A_359 : vector<16xf32>
          tpu.vector_store_idx %arg25[%add3A_145, %and3A_309], %add3A_341 : memref<128x128xf32, #tpu.memory_space<vmem>>[vector<16xi32>, vector<16xi32>], vector<16xf32>,
          %add3A_361 = arith.constant 64 : i32
          %add3A_362 = vector.broadcast %add3A_361 : i32 to vector<16xi32>
          %add3A_363 = arith.addi %and3A_309, %add3A_362 : vector<16xi32>
          tpu.vector_store_idx %arg25[%add3A_145, %add3A_363], %add3A_360 : memref<128x128xf32, #tpu.memory_space<vmem>>[vector<16xi32>, vector<16xi32>], vector<16xf32>,
          %add3A_364 = arith.addf %add3A_341, %add3A_360 : vector<16xf32>
          %add3A_365 = arith.addf %scan3A_230, %add3A_364 : vector<16xf32>
          %mul3A_366 = arith.mulf %add3A_341, %add3A_341 : vector<16xf32>
          %mul3A_367 = arith.mulf %add3A_360, %add3A_360 : vector<16xf32>
          %add3A_368 = arith.addf %mul3A_366, %mul3A_367 : vector<16xf32>
          %add3A_369 = arith.addf %scan3A_231, %add3A_368 : vector<16xf32>
          %add3A_370 = arith.constant 2 : i32
          %add3A_371 = arith.addi %mul3A_237, %add3A_370 : i32
          %add3A_372 = vector.broadcast %add3A_371 : i32 to vector<16xi32>
          %add3A_373 = arith.addi %iota3A, %add3A_372 : vector<16xi32>
          %and3A_374 = arith.constant 63 : i32
          %and3A_375 = vector.broadcast %and3A_374 : i32 to vector<16xi32>
          %and3A_376 = arith.andi %add3A_373, %and3A_375 : vector<16xi32>
          %gather3A_377 = tpu.vector_load_idx %arg12[%and3A_152, %and3A_376] : memref<75x64xi32, #tpu.memory_space<vmem>>[vector<16xi32>, vector<16xi32>], vector<16xi32>,
          %gather3A_378 = tpu.vector_load_idx %arg13[%and3A_157, %and3A_376] : memref<48x64xi32, #tpu.memory_space<vmem>>[vector<16xi32>, vector<16xi32>], vector<16xi32>,
          %gather3A_379 = tpu.vector_load_idx %arg14[%shift_right_logical3A_160, %and3A_376] : memref<48x64xi32, #tpu.memory_space<vmem>>[vector<16xi32>, vector<16xi32>], vector<16xi32>,
          %gather3A_380 = tpu.vector_load_idx %arg15[%rem3A_164, %and3A_376] : memref<200x64xi32, #tpu.memory_space<vmem>>[vector<16xi32>, vector<16xi32>], vector<16xi32>,
          %gather3A_381 = tpu.vector_load_idx %arg21[%add3A_145, %and3A_376] : memref<128x128xf32, #tpu.memory_space<vmem>>[vector<16xi32>, vector<16xi32>], vector<16xf32>,
          %add3A_382 = arith.constant 64 : i32
          %add3A_383 = vector.broadcast %add3A_382 : i32 to vector<16xi32>
          %add3A_384 = arith.addi %and3A_376, %add3A_383 : vector<16xi32>
          %gather3A_385 = tpu.vector_load_idx %arg21[%add3A_145, %add3A_384] : memref<128x128xf32, #tpu.memory_space<vmem>>[vector<16xi32>, vector<16xi32>], vector<16xf32>,
          %shift_left3A_386 = arith.constant 16 : i32
          %shift_left3A_387 = vector.broadcast %shift_left3A_386 : i32 to vector<16xi32>
          %shift_left3A_388 = arith.shli %gather3A_377, %shift_left3A_387 : vector<16xi32>
          %bitcast3A_389 = vector.bitcast %shift_left3A_388 : vector<16xi32> to vector<16xf32>
          %shift_left3A_390 = arith.constant 16 : i32
          %shift_left3A_391 = vector.broadcast %shift_left3A_390 : i32 to vector<16xi32>
          %shift_left3A_392 = arith.shli %gather3A_378, %shift_left3A_391 : vector<16xi32>
          %bitcast3A_393 = vector.bitcast %shift_left3A_392 : vector<16xi32> to vector<16xf32>
          %add3A_394 = arith.addf %bitcast3A_389, %bitcast3A_393 : vector<16xf32>
          %shift_left3A_395 = arith.constant 16 : i32
          %shift_left3A_396 = vector.broadcast %shift_left3A_395 : i32 to vector<16xi32>
          %shift_left3A_397 = arith.shli %gather3A_379, %shift_left3A_396 : vector<16xi32>
          %bitcast3A_398 = vector.bitcast %shift_left3A_397 : vector<16xi32> to vector<16xf32>
          %shift_left3A_399 = arith.constant 16 : i32
          %shift_left3A_400 = vector.broadcast %shift_left3A_399 : i32 to vector<16xi32>
          %shift_left3A_401 = arith.shli %gather3A_380, %shift_left3A_400 : vector<16xi32>
          %bitcast3A_402 = vector.bitcast %shift_left3A_401 : vector<16xi32> to vector<16xf32>
          %add3A_403 = arith.addf %bitcast3A_398, %bitcast3A_402 : vector<16xf32>
          %add3A_404 = arith.addf %add3A_394, %add3A_403 : vector<16xf32>
          %mul3A_405 = arith.constant 11.3137083 : f32
          %mul3A_406 = vector.broadcast %mul3A_405 : f32 to vector<16xf32>
          %mul3A_407 = arith.mulf %gather3A_381, %mul3A_406 : vector<16xf32>
          %add3A_408 = arith.addf %add3A_404, %mul3A_407 : vector<16xf32>
          %and3A_409 = vector.broadcast %scan3A : i32 to vector<16xi32>
          %and3A_410 = arith.andi %gather3A_377, %and3A_409 : vector<16xi32>
          %bitcast3A_411 = vector.bitcast %and3A_410 : vector<16xi32> to vector<16xf32>
          %and3A_412 = vector.broadcast %scan3A : i32 to vector<16xi32>
          %and3A_413 = arith.andi %gather3A_378, %and3A_412 : vector<16xi32>
          %bitcast3A_414 = vector.bitcast %and3A_413 : vector<16xi32> to vector<16xf32>
          %add3A_415 = arith.addf %bitcast3A_411, %bitcast3A_414 : vector<16xf32>
          %and3A_416 = vector.broadcast %scan3A : i32 to vector<16xi32>
          %and3A_417 = arith.andi %gather3A_379, %and3A_416 : vector<16xi32>
          %bitcast3A_418 = vector.bitcast %and3A_417 : vector<16xi32> to vector<16xf32>
          %and3A_419 = vector.broadcast %scan3A : i32 to vector<16xi32>
          %and3A_420 = arith.andi %gather3A_380, %and3A_419 : vector<16xi32>
          %bitcast3A_421 = vector.bitcast %and3A_420 : vector<16xi32> to vector<16xf32>
          %add3A_422 = arith.addf %bitcast3A_418, %bitcast3A_421 : vector<16xf32>
          %add3A_423 = arith.addf %add3A_415, %add3A_422 : vector<16xf32>
          %mul3A_424 = arith.constant 11.3137083 : f32
          %mul3A_425 = vector.broadcast %mul3A_424 : f32 to vector<16xf32>
          %mul3A_426 = arith.mulf %gather3A_385, %mul3A_425 : vector<16xf32>
          %add3A_427 = arith.addf %add3A_423, %mul3A_426 : vector<16xf32>
          tpu.vector_store_idx %arg25[%add3A_145, %and3A_376], %add3A_408 : memref<128x128xf32, #tpu.memory_space<vmem>>[vector<16xi32>, vector<16xi32>], vector<16xf32>,
          %add3A_428 = arith.constant 64 : i32
          %add3A_429 = vector.broadcast %add3A_428 : i32 to vector<16xi32>
          %add3A_430 = arith.addi %and3A_376, %add3A_429 : vector<16xi32>
          tpu.vector_store_idx %arg25[%add3A_145, %add3A_430], %add3A_427 : memref<128x128xf32, #tpu.memory_space<vmem>>[vector<16xi32>, vector<16xi32>], vector<16xf32>,
          %add3A_431 = arith.addf %add3A_408, %add3A_427 : vector<16xf32>
          %add3A_432 = arith.addf %scan3A_232, %add3A_431 : vector<16xf32>
          %mul3A_433 = arith.mulf %add3A_408, %add3A_408 : vector<16xf32>
          %mul3A_434 = arith.mulf %add3A_427, %add3A_427 : vector<16xf32>
          %add3A_435 = arith.addf %mul3A_433, %mul3A_434 : vector<16xf32>
          %add3A_436 = arith.addf %scan3A_233, %add3A_435 : vector<16xf32>
          %add3A_437 = arith.constant 3 : i32
          %add3A_438 = arith.addi %mul3A_237, %add3A_437 : i32
          %add3A_439 = vector.broadcast %add3A_438 : i32 to vector<16xi32>
          %add3A_440 = arith.addi %iota3A, %add3A_439 : vector<16xi32>
          %and3A_441 = arith.constant 63 : i32
          %and3A_442 = vector.broadcast %and3A_441 : i32 to vector<16xi32>
          %and3A_443 = arith.andi %add3A_440, %and3A_442 : vector<16xi32>
          %gather3A_444 = tpu.vector_load_idx %arg12[%and3A_152, %and3A_443] : memref<75x64xi32, #tpu.memory_space<vmem>>[vector<16xi32>, vector<16xi32>], vector<16xi32>,
          %gather3A_445 = tpu.vector_load_idx %arg13[%and3A_157, %and3A_443] : memref<48x64xi32, #tpu.memory_space<vmem>>[vector<16xi32>, vector<16xi32>], vector<16xi32>,
          %gather3A_446 = tpu.vector_load_idx %arg14[%shift_right_logical3A_160, %and3A_443] : memref<48x64xi32, #tpu.memory_space<vmem>>[vector<16xi32>, vector<16xi32>], vector<16xi32>,
          %gather3A_447 = tpu.vector_load_idx %arg15[%rem3A_164, %and3A_443] : memref<200x64xi32, #tpu.memory_space<vmem>>[vector<16xi32>, vector<16xi32>], vector<16xi32>,
          %gather3A_448 = tpu.vector_load_idx %arg21[%add3A_145, %and3A_443] : memref<128x128xf32, #tpu.memory_space<vmem>>[vector<16xi32>, vector<16xi32>], vector<16xf32>,
          %add3A_449 = arith.constant 64 : i32
          %add3A_450 = vector.broadcast %add3A_449 : i32 to vector<16xi32>
          %add3A_451 = arith.addi %and3A_443, %add3A_450 : vector<16xi32>
          %gather3A_452 = tpu.vector_load_idx %arg21[%add3A_145, %add3A_451] : memref<128x128xf32, #tpu.memory_space<vmem>>[vector<16xi32>, vector<16xi32>], vector<16xf32>,
          %shift_left3A_453 = arith.constant 16 : i32
          %shift_left3A_454 = vector.broadcast %shift_left3A_453 : i32 to vector<16xi32>
          %shift_left3A_455 = arith.shli %gather3A_444, %shift_left3A_454 : vector<16xi32>
          %bitcast3A_456 = vector.bitcast %shift_left3A_455 : vector<16xi32> to vector<16xf32>
          %shift_left3A_457 = arith.constant 16 : i32
          %shift_left3A_458 = vector.broadcast %shift_left3A_457 : i32 to vector<16xi32>
          %shift_left3A_459 = arith.shli %gather3A_445, %shift_left3A_458 : vector<16xi32>
          %bitcast3A_460 = vector.bitcast %shift_left3A_459 : vector<16xi32> to vector<16xf32>
          %add3A_461 = arith.addf %bitcast3A_456, %bitcast3A_460 : vector<16xf32>
          %shift_left3A_462 = arith.constant 16 : i32
          %shift_left3A_463 = vector.broadcast %shift_left3A_462 : i32 to vector<16xi32>
          %shift_left3A_464 = arith.shli %gather3A_446, %shift_left3A_463 : vector<16xi32>
          %bitcast3A_465 = vector.bitcast %shift_left3A_464 : vector<16xi32> to vector<16xf32>
          %shift_left3A_466 = arith.constant 16 : i32
          %shift_left3A_467 = vector.broadcast %shift_left3A_466 : i32 to vector<16xi32>
          %shift_left3A_468 = arith.shli %gather3A_447, %shift_left3A_467 : vector<16xi32>
          %bitcast3A_469 = vector.bitcast %shift_left3A_468 : vector<16xi32> to vector<16xf32>
          %add3A_470 = arith.addf %bitcast3A_465, %bitcast3A_469 : vector<16xf32>
          %add3A_471 = arith.addf %add3A_461, %add3A_470 : vector<16xf32>
          %mul3A_472 = arith.constant 11.3137083 : f32
          %mul3A_473 = vector.broadcast %mul3A_472 : f32 to vector<16xf32>
          %mul3A_474 = arith.mulf %gather3A_448, %mul3A_473 : vector<16xf32>
          %add3A_475 = arith.addf %add3A_471, %mul3A_474 : vector<16xf32>
          %and3A_476 = vector.broadcast %scan3A : i32 to vector<16xi32>
          %and3A_477 = arith.andi %gather3A_444, %and3A_476 : vector<16xi32>
          %bitcast3A_478 = vector.bitcast %and3A_477 : vector<16xi32> to vector<16xf32>
          %and3A_479 = vector.broadcast %scan3A : i32 to vector<16xi32>
          %and3A_480 = arith.andi %gather3A_445, %and3A_479 : vector<16xi32>
          %bitcast3A_481 = vector.bitcast %and3A_480 : vector<16xi32> to vector<16xf32>
          %add3A_482 = arith.addf %bitcast3A_478, %bitcast3A_481 : vector<16xf32>
          %and3A_483 = vector.broadcast %scan3A : i32 to vector<16xi32>
          %and3A_484 = arith.andi %gather3A_446, %and3A_483 : vector<16xi32>
          %bitcast3A_485 = vector.bitcast %and3A_484 : vector<16xi32> to vector<16xf32>
          %and3A_486 = vector.broadcast %scan3A : i32 to vector<16xi32>
          %and3A_487 = arith.andi %gather3A_447, %and3A_486 : vector<16xi32>
          %bitcast3A_488 = vector.bitcast %and3A_487 : vector<16xi32> to vector<16xf32>
          %add3A_489 = arith.addf %bitcast3A_485, %bitcast3A_488 : vector<16xf32>
          %add3A_490 = arith.addf %add3A_482, %add3A_489 : vector<16xf32>
          %mul3A_491 = arith.constant 11.3137083 : f32
          %mul3A_492 = vector.broadcast %mul3A_491 : f32 to vector<16xf32>
          %mul3A_493 = arith.mulf %gather3A_452, %mul3A_492 : vector<16xf32>
          %add3A_494 = arith.addf %add3A_490, %mul3A_493 : vector<16xf32>
          tpu.vector_store_idx %arg25[%add3A_145, %and3A_443], %add3A_475 : memref<128x128xf32, #tpu.memory_space<vmem>>[vector<16xi32>, vector<16xi32>], vector<16xf32>,
          %add3A_495 = arith.constant 64 : i32
          %add3A_496 = vector.broadcast %add3A_495 : i32 to vector<16xi32>
          %add3A_497 = arith.addi %and3A_443, %add3A_496 : vector<16xi32>
          tpu.vector_store_idx %arg25[%add3A_145, %add3A_497], %add3A_494 : memref<128x128xf32, #tpu.memory_space<vmem>>[vector<16xi32>, vector<16xi32>], vector<16xf32>,
          %add3A_498 = arith.addf %add3A_475, %add3A_494 : vector<16xf32>
          %add3A_499 = arith.addf %scan3A_234, %add3A_498 : vector<16xf32>
          %mul3A_500 = arith.mulf %add3A_475, %add3A_475 : vector<16xf32>
          %mul3A_501 = arith.mulf %add3A_494, %add3A_494 : vector<16xf32>
          %add3A_502 = arith.addf %mul3A_500, %mul3A_501 : vector<16xf32>
          %add3A_503 = arith.addf %scan3A_235, %add3A_502 : vector<16xf32>
          scf.yield %add3A_298, %add3A_302, %add3A_365, %add3A_369, %add3A_432, %add3A_436, %add3A_499, %add3A_503 : vector<16xf32>, vector<16xf32>, vector<16xf32>, vector<16xf32>, vector<16xf32>, vector<16xf32>, vector<16xf32>, vector<16xf32>
        }
        %scan3A_172 = arith.constant 16 : i32
        %add3A_173 = arith.addf %scan3A_171#0, %scan3A_171#2 : vector<16xf32>
        %add3A_174 = arith.addf %scan3A_171#1, %scan3A_171#3 : vector<16xf32>
        %add3A_175 = arith.addf %add3A_173, %scan3A_171#4 : vector<16xf32>
        %add3A_176 = arith.addf %add3A_174, %scan3A_171#5 : vector<16xf32>
        %add3A_177 = arith.addf %add3A_175, %scan3A_171#6 : vector<16xf32>
        %add3A_178 = arith.addf %add3A_176, %scan3A_171#7 : vector<16xf32>
        %mul3A_179 = arith.constant 7.812500e-03 : f32
        %mul3A_180 = vector.broadcast %mul3A_179 : f32 to vector<16xf32>
        %mul3A_181 = arith.mulf %add3A_177, %mul3A_180 : vector<16xf32>
        %mul3A_182 = arith.constant 7.812500e-03 : f32
        %mul3A_183 = vector.broadcast %mul3A_182 : f32 to vector<16xf32>
        %mul3A_184 = arith.mulf %add3A_178, %mul3A_183 : vector<16xf32>
        %mul3A_185 = arith.mulf %mul3A_181, %mul3A_181 : vector<16xf32>
        %sub3A = arith.subf %mul3A_184, %mul3A_185 : vector<16xf32>
        %swap3A = arith.index_cast %mul3A_143 : i32 to index
        %swap3A_186 = tpu.vector_load %arg22[%swap3A] {strides = array<i32>} : memref<128xf32, #tpu.memory_space<vmem>>, vector<16xf32>,
        tpu.vector_store %arg22[%swap3A], %mul3A_181 {strides = array<i32>} : memref<128xf32, #tpu.memory_space<vmem>>, vector<16xf32>,
        %add3A_187 = arith.constant 9.99999996E-13 : f32
        %add3A_188 = vector.broadcast %add3A_187 : f32 to vector<16xf32>
        %add3A_189 = arith.addf %sub3A, %add3A_188 : vector<16xf32>
        %bitcast3A = vector.bitcast %add3A_189 : vector<16xf32> to vector<16xi32>
        %shift_right_logical3A_190 = arith.constant 1 : i32
        %shift_right_logical3A_191 = vector.broadcast %shift_right_logical3A_190 : i32 to vector<16xi32>
        %shift_right_logical3A_192 = arith.shrui %bitcast3A, %shift_right_logical3A_191 : vector<16xi32>
        %sub3A_193 = arith.constant 1597463007 : i32
        %sub3A_194 = vector.broadcast %sub3A_193 : i32 to vector<16xi32>
        %sub3A_195 = arith.subi %sub3A_194, %shift_right_logical3A_192 : vector<16xi32>
        %bitcast3A_196 = vector.bitcast %sub3A_195 : vector<16xi32> to vector<16xf32>
        %mul3A_197 = arith.constant 5.000000e-01 : f32
        %mul3A_198 = vector.broadcast %mul3A_197 : f32 to vector<16xf32>
        %mul3A_199 = arith.mulf %mul3A_198, %add3A_189 : vector<16xf32>
        %mul3A_200 = arith.mulf %mul3A_199, %bitcast3A_196 : vector<16xf32>
        %mul3A_201 = arith.mulf %mul3A_200, %bitcast3A_196 : vector<16xf32>
        %sub3A_202 = arith.constant 1.500000e+00 : f32
        %sub3A_203 = vector.broadcast %sub3A_202 : f32 to vector<16xf32>
        %sub3A_204 = arith.subf %sub3A_203, %mul3A_201 : vector<16xf32>
        %mul3A_205 = arith.mulf %bitcast3A_196, %sub3A_204 : vector<16xf32>
        %mul3A_206 = arith.constant 5.000000e-01 : f32
        %mul3A_207 = vector.broadcast %mul3A_206 : f32 to vector<16xf32>
        %mul3A_208 = arith.mulf %mul3A_207, %add3A_189 : vector<16xf32>
        %mul3A_209 = arith.mulf %mul3A_208, %mul3A_205 : vector<16xf32>
        %mul3A_210 = arith.mulf %mul3A_209, %mul3A_205 : vector<16xf32>
        %sub3A_211 = arith.constant 1.500000e+00 : f32
        %sub3A_212 = vector.broadcast %sub3A_211 : f32 to vector<16xf32>
        %sub3A_213 = arith.subf %sub3A_212, %mul3A_210 : vector<16xf32>
        %mul3A_214 = arith.mulf %mul3A_205, %sub3A_213 : vector<16xf32>
        %mul3A_215 = arith.constant 5.000000e-01 : f32
        %mul3A_216 = vector.broadcast %mul3A_215 : f32 to vector<16xf32>
        %mul3A_217 = arith.mulf %mul3A_216, %add3A_189 : vector<16xf32>
        %mul3A_218 = arith.mulf %mul3A_217, %mul3A_214 : vector<16xf32>
        %mul3A_219 = arith.mulf %mul3A_218, %mul3A_214 : vector<16xf32>
        %sub3A_220 = arith.constant 1.500000e+00 : f32
        %sub3A_221 = vector.broadcast %sub3A_220 : f32 to vector<16xf32>
        %sub3A_222 = arith.subf %sub3A_221, %mul3A_219 : vector<16xf32>
        %mul3A_223 = arith.mulf %mul3A_214, %sub3A_222 : vector<16xf32>
        %swap3A_224 = arith.index_cast %mul3A_143 : i32 to index
        %swap3A_225 = tpu.vector_load %arg23[%swap3A_224] {strides = array<i32>} : memref<128xf32, #tpu.memory_space<vmem>>, vector<16xf32>,
        tpu.vector_store %arg23[%swap3A_224], %mul3A_223 {strides = array<i32>} : memref<128xf32, #tpu.memory_space<vmem>>, vector<16xf32>,
        %scan3A_226 = arith.constant 0 : i32
        scf.yield %scan3A_226 : i32
      }
      %scan3A_127 = arith.constant 8 : i32
      %scan3A_128 = arith.constant 0 : i32
      %scan3A_129 = arith.constant 0 : i32
      %scan3A_130 = arith.constant 128 : i32
      %scan3A_131 = arith.addi %scan3A_129, %scan3A_130 : i32
      %scan3A_132 = arith.constant 1 : i32
      %scan3A_133 = scf.for %scan3A_140 = %scan3A_129 to %scan3A_131 step %scan3A_132 iter_args(%scan3A_141 = %scan3A_128) -> (i32)  : i32 {
        %add3A_142 = vector.broadcast %scan3A_140 : i32 to vector<16xi32>
        %add3A_143 = arith.addi %broadcast_in_dim3A_3, %add3A_142 : vector<16xi32>
        %gather3A = tpu.vector_load_idx %arg22[%add3A_143] : memref<128xf32, #tpu.memory_space<vmem>>[vector<16xi32>], vector<16xf32>,
        %gather3A_144 = tpu.vector_load_idx %arg23[%add3A_143] : memref<128xf32, #tpu.memory_space<vmem>>[vector<16xi32>], vector<16xf32>,
        %get3A_145 = arith.index_cast %scan3A_140 : i32 to index
        %get3A_146 = arith.constant 0 : index
        %get3A_147 = tpu.vector_load %arg25[%get3A_145, %get3A_146] {strides = array<i32>} : memref<128x128xf32, #tpu.memory_space<vmem>>, vector<16xf32>,
        %sub3A = arith.subf %get3A_147, %gather3A : vector<16xf32>
        %mul3A_148 = arith.mulf %sub3A, %gather3A_144 : vector<16xf32>
        %mul3A_149 = arith.mulf %mul3A_148, %get3A_4 : vector<16xf32>
        %add3A_150 = arith.addf %mul3A_149, %get3A_20 : vector<16xf32>
        %swap3A = arith.index_cast %scan3A_140 : i32 to index
        %swap3A_151 = arith.constant 0 : index
        %swap3A_152 = tpu.vector_load %arg25[%swap3A, %swap3A_151] {strides = array<i32>} : memref<128x128xf32, #tpu.memory_space<vmem>>, vector<16xf32>,
        tpu.vector_store %arg25[%swap3A, %swap3A_151], %add3A_150 {strides = array<i32>} : memref<128x128xf32, #tpu.memory_space<vmem>>, vector<16xf32>,
        %get3A_153 = arith.index_cast %scan3A_140 : i32 to index
        %get3A_154 = arith.constant 16 : index
        %get3A_155 = tpu.vector_load %arg25[%get3A_153, %get3A_154] {strides = array<i32>} : memref<128x128xf32, #tpu.memory_space<vmem>>, vector<16xf32>,
        %sub3A_156 = arith.subf %get3A_155, %gather3A : vector<16xf32>
        %mul3A_157 = arith.mulf %sub3A_156, %gather3A_144 : vector<16xf32>
        %mul3A_158 = arith.mulf %mul3A_157, %get3A_6 : vector<16xf32>
        %add3A_159 = arith.addf %mul3A_158, %get3A_22 : vector<16xf32>
        %swap3A_160 = arith.index_cast %scan3A_140 : i32 to index
        %swap3A_161 = arith.constant 16 : index
        %swap3A_162 = tpu.vector_load %arg25[%swap3A_160, %swap3A_161] {strides = array<i32>} : memref<128x128xf32, #tpu.memory_space<vmem>>, vector<16xf32>,
        tpu.vector_store %arg25[%swap3A_160, %swap3A_161], %add3A_159 {strides = array<i32>} : memref<128x128xf32, #tpu.memory_space<vmem>>, vector<16xf32>,
        %get3A_163 = arith.index_cast %scan3A_140 : i32 to index
        %get3A_164 = arith.constant 32 : index
        %get3A_165 = tpu.vector_load %arg25[%get3A_163, %get3A_164] {strides = array<i32>} : memref<128x128xf32, #tpu.memory_space<vmem>>, vector<16xf32>,
        %sub3A_166 = arith.subf %get3A_165, %gather3A : vector<16xf32>
        %mul3A_167 = arith.mulf %sub3A_166, %gather3A_144 : vector<16xf32>
        %mul3A_168 = arith.mulf %mul3A_167, %get3A_8 : vector<16xf32>
        %add3A_169 = arith.addf %mul3A_168, %get3A_24 : vector<16xf32>
        %swap3A_170 = arith.index_cast %scan3A_140 : i32 to index
        %swap3A_171 = arith.constant 32 : index
        %swap3A_172 = tpu.vector_load %arg25[%swap3A_170, %swap3A_171] {strides = array<i32>} : memref<128x128xf32, #tpu.memory_space<vmem>>, vector<16xf32>,
        tpu.vector_store %arg25[%swap3A_170, %swap3A_171], %add3A_169 {strides = array<i32>} : memref<128x128xf32, #tpu.memory_space<vmem>>, vector<16xf32>,
        %get3A_173 = arith.index_cast %scan3A_140 : i32 to index
        %get3A_174 = arith.constant 48 : index
        %get3A_175 = tpu.vector_load %arg25[%get3A_173, %get3A_174] {strides = array<i32>} : memref<128x128xf32, #tpu.memory_space<vmem>>, vector<16xf32>,
        %sub3A_176 = arith.subf %get3A_175, %gather3A : vector<16xf32>
        %mul3A_177 = arith.mulf %sub3A_176, %gather3A_144 : vector<16xf32>
        %mul3A_178 = arith.mulf %mul3A_177, %get3A_10 : vector<16xf32>
        %add3A_179 = arith.addf %mul3A_178, %get3A_26 : vector<16xf32>
        %swap3A_180 = arith.index_cast %scan3A_140 : i32 to index
        %swap3A_181 = arith.constant 48 : index
        %swap3A_182 = tpu.vector_load %arg25[%swap3A_180, %swap3A_181] {strides = array<i32>} : memref<128x128xf32, #tpu.memory_space<vmem>>, vector<16xf32>,
        tpu.vector_store %arg25[%swap3A_180, %swap3A_181], %add3A_179 {strides = array<i32>} : memref<128x128xf32, #tpu.memory_space<vmem>>, vector<16xf32>,
        %get3A_183 = arith.index_cast %scan3A_140 : i32 to index
        %get3A_184 = arith.constant 64 : index
        %get3A_185 = tpu.vector_load %arg25[%get3A_183, %get3A_184] {strides = array<i32>} : memref<128x128xf32, #tpu.memory_space<vmem>>, vector<16xf32>,
        %sub3A_186 = arith.subf %get3A_185, %gather3A : vector<16xf32>
        %mul3A_187 = arith.mulf %sub3A_186, %gather3A_144 : vector<16xf32>
        %mul3A_188 = arith.mulf %mul3A_187, %get3A_12 : vector<16xf32>
        %add3A_189 = arith.addf %mul3A_188, %get3A_28 : vector<16xf32>
        %swap3A_190 = arith.index_cast %scan3A_140 : i32 to index
        %swap3A_191 = arith.constant 64 : index
        %swap3A_192 = tpu.vector_load %arg25[%swap3A_190, %swap3A_191] {strides = array<i32>} : memref<128x128xf32, #tpu.memory_space<vmem>>, vector<16xf32>,
        tpu.vector_store %arg25[%swap3A_190, %swap3A_191], %add3A_189 {strides = array<i32>} : memref<128x128xf32, #tpu.memory_space<vmem>>, vector<16xf32>,
        %get3A_193 = arith.index_cast %scan3A_140 : i32 to index
        %get3A_194 = arith.constant 80 : index
        %get3A_195 = tpu.vector_load %arg25[%get3A_193, %get3A_194] {strides = array<i32>} : memref<128x128xf32, #tpu.memory_space<vmem>>, vector<16xf32>,
        %sub3A_196 = arith.subf %get3A_195, %gather3A : vector<16xf32>
        %mul3A_197 = arith.mulf %sub3A_196, %gather3A_144 : vector<16xf32>
        %mul3A_198 = arith.mulf %mul3A_197, %get3A_14 : vector<16xf32>
        %add3A_199 = arith.addf %mul3A_198, %get3A_30 : vector<16xf32>
        %swap3A_200 = arith.index_cast %scan3A_140 : i32 to index
        %swap3A_201 = arith.constant 80 : index
        %swap3A_202 = tpu.vector_load %arg25[%swap3A_200, %swap3A_201] {strides = array<i32>} : memref<128x128xf32, #tpu.memory_space<vmem>>, vector<16xf32>,
        tpu.vector_store %arg25[%swap3A_200, %swap3A_201], %add3A_199 {strides = array<i32>} : memref<128x128xf32, #tpu.memory_space<vmem>>, vector<16xf32>,
        %get3A_203 = arith.index_cast %scan3A_140 : i32 to index
        %get3A_204 = arith.constant 96 : index
        %get3A_205 = tpu.vector_load %arg25[%get3A_203, %get3A_204] {strides = array<i32>} : memref<128x128xf32, #tpu.memory_space<vmem>>, vector<16xf32>,
        %sub3A_206 = arith.subf %get3A_205, %gather3A : vector<16xf32>
        %mul3A_207 = arith.mulf %sub3A_206, %gather3A_144 : vector<16xf32>
        %mul3A_208 = arith.mulf %mul3A_207, %get3A_16 : vector<16xf32>
        %add3A_209 = arith.addf %mul3A_208, %get3A_32 : vector<16xf32>
        %swap3A_210 = arith.index_cast %scan3A_140 : i32 to index
        %swap3A_211 = arith.constant 96 : index
        %swap3A_212 = tpu.vector_load %arg25[%swap3A_210, %swap3A_211] {strides = array<i32>} : memref<128x128xf32, #tpu.memory_space<vmem>>, vector<16xf32>,
        tpu.vector_store %arg25[%swap3A_210, %swap3A_211], %add3A_209 {strides = array<i32>} : memref<128x128xf32, #tpu.memory_space<vmem>>, vector<16xf32>,
        %get3A_213 = arith.index_cast %scan3A_140 : i32 to index
        %get3A_214 = arith.constant 112 : index
        %get3A_215 = tpu.vector_load %arg25[%get3A_213, %get3A_214] {strides = array<i32>} : memref<128x128xf32, #tpu.memory_space<vmem>>, vector<16xf32>,
        %sub3A_216 = arith.subf %get3A_215, %gather3A : vector<16xf32>
        %mul3A_217 = arith.mulf %sub3A_216, %gather3A_144 : vector<16xf32>
        %mul3A_218 = arith.mulf %mul3A_217, %get3A_18 : vector<16xf32>
        %add3A_219 = arith.addf %mul3A_218, %get3A_34 : vector<16xf32>
        %swap3A_220 = arith.index_cast %scan3A_140 : i32 to index
        %swap3A_221 = arith.constant 112 : index
        %swap3A_222 = tpu.vector_load %arg25[%swap3A_220, %swap3A_221] {strides = array<i32>} : memref<128x128xf32, #tpu.memory_space<vmem>>, vector<16xf32>,
        tpu.vector_store %arg25[%swap3A_220, %swap3A_221], %add3A_219 {strides = array<i32>} : memref<128x128xf32, #tpu.memory_space<vmem>>, vector<16xf32>,
        %scan3A_223 = arith.constant 0 : i32
        scf.yield %scan3A_223 : i32
      }
      %scan3A_134 = arith.constant 128 : i32
      %dma_start3A_135 = arith.constant 0 : i32
      %dma_start3A_136 = tpu.memref_slice %arg11[%add3A_120, %dma_start3A_135] : memref<204800x128xf32, #tpu.memory_space<hbm>> -> memref<128x128xf32, #tpu.memory_space<hbm>>
      %dma_start3A_137 = arith.constant 0 : i32
      %dma_start3A_138 = tpu.memref_slice %arg11[%add3A_120, %dma_start3A_137] : memref<204800x128xf32, #tpu.memory_space<hbm>> -> memref<128x128xf32, #tpu.memory_space<hbm>>
      tpu.enqueue_dma source(%arg25 : memref<128x128xf32, #tpu.memory_space<vmem>>) target(%dma_start3A_138 : memref<128x128xf32, #tpu.memory_space<hbm>>) target_semaphore(%arg29 : memref<!tpu.dma_semaphore, #tpu.memory_space<semaphore_mem>>)
      %scan3A_139 = arith.constant 0 : i32
      scf.yield %scan3A_139 : i32
    }
    %scan3A_45 = arith.constant 25 : i32
    %dma_wait3A = arith.constant 0 : i32
    %dma_wait3A_46 = arith.constant 0 : i32
    %dma_wait3A_47 = tpu.memref_slice %arg11[%dma_wait3A, %dma_wait3A_46] : memref<204800x128xf32, #tpu.memory_space<hbm>> -> memref<128x128xf32, #tpu.memory_space<hbm>>
    %dma_wait3A_48 = arith.constant 0 : i32
    %dma_wait3A_49 = arith.constant 0 : i32
    %dma_wait3A_50 = tpu.memref_slice %arg11[%dma_wait3A_48, %dma_wait3A_49] : memref<204800x128xf32, #tpu.memory_space<hbm>> -> memref<128x128xf32, #tpu.memory_space<hbm>>
    tpu.wait_dma2 semaphore(%arg28 : memref<!tpu.dma_semaphore, #tpu.memory_space<semaphore_mem>>) src(%arg24 : memref<128x128xf32, #tpu.memory_space<vmem>>) dst(%dma_wait3A_50 : memref<128x128xf32, #tpu.memory_space<hbm>>)
    %dma_wait3A_51 = arith.constant 0 : i32
    %dma_wait3A_52 = arith.constant 0 : i32
    %dma_wait3A_53 = tpu.memref_slice %arg11[%dma_wait3A_51, %dma_wait3A_52] : memref<204800x128xf32, #tpu.memory_space<hbm>> -> memref<128x128xf32, #tpu.memory_space<hbm>>
    %dma_wait3A_54 = arith.constant 0 : i32
    %dma_wait3A_55 = arith.constant 0 : i32
    %dma_wait3A_56 = tpu.memref_slice %arg11[%dma_wait3A_54, %dma_wait3A_55] : memref<204800x128xf32, #tpu.memory_space<hbm>> -> memref<128x128xf32, #tpu.memory_space<hbm>>
    tpu.wait_dma2 semaphore(%arg29 : memref<!tpu.dma_semaphore, #tpu.memory_space<semaphore_mem>>) src(%arg25 : memref<128x128xf32, #tpu.memory_space<vmem>>) dst(%dma_wait3A_56 : memref<128x128xf32, #tpu.memory_space<hbm>>)
    return
  }
}

</mosaic_0001>

<sc_bundles>
// kernel: kernel.3.cloned.1.call-start
scs
__scs_entry_jumppad:
0x0: {  	(pc) =	sbr.rel $0x88, $3  }
0x1: {  	(tag) =	ssettag $0x0;
	lr =	simm.s32 $0x1  }
0x2: {  	[smem:$0x3F96] =	sst lr;
	_ =	strace $0xD0000000  }
0x3: {  	_ = 	snop  }
0x4: {  	_ = 	snop  }
0x5: {  	_ = 	snop  }
0x6: {  	_ = 	snop  }
0x7: {  	_ = 	snop  }
__scs_overlays_trampoline_lowered:
0x8: {  	[smem:$0x3FA5] =	sst s0  }
0x9: {  	[smem:$0x3FA6] =	sst s1  }
0xa: {  	[smem:$0x3FA7] =	sst s2  }
0xb: {  	[smem:$0x3FA8] =	sst s3  }
0xc: {  	[smem:$0x3FA9] =	sst s4  }
0xd: {  	[smem:$0x3FAA] =	sst s5  }
0xe: {  	[smem:$0x3FAB] =	sst s6  }
0xf: {  	[smem:$0x3FAC] =	sst s7  }
0x10: {  	[smem:$0x3FAD] =	sst s8  }
0x11: {  	[smem:$0x3FAE] =	sst s9;
	s0 =	simm.s32 @!p0 $0x0  }
0x12: {  	s1 =	sld [smem:$0x3F94];
	s0 =	simm.s32 @p0 $0x1  }
0x13: {  	[smem:$0x3FAF] =	sst s0;
	s0 =	simm.s32 @!p1 $0x0  }
0x14: {  	s2 =	sld [smem:$0x3F93];
	s0 =	simm.s32 @p1 $0x1  }
0x15: {  	[smem:$0x3FB0] =	sst s0;
	s0 =	simm.s32 @!p2 $0x0  }
0x16: {  	s3 =	sld [smem:$0x3FDB];
	s0 =	simm.s32 @p2 $0x1  }
0x17: {  	s4 =	simm.s32 $0x1BF5;
	[smem:$0x3FB2] =	sst s0  }
0x18: {  	s0 =	sld [smem:$0x3F95];
	_ =	swait.ge [sflag:s4], $0x0  }
0x19: {  	s7 =	sld [smem:$0x3F96]  }
0x1a: {  	s8 =	sadd.s32 $0xFFFFE003, lr  }
0x1b: {  	s9 =	sadd.s32 $0xFFFFFEF7, lr;
	s5 =	simm.s32 $0xFFFFFFFF;
	p2 =	slt.u32 s8, $0xFFFFF086  }
0x1c: {  	p1 =	slt.u32 s9, $0xF7A;
	s5 =	simm.s32 @!p2 $0x0  }
0x1d: {  	s5 =	simm.s32 @p1 $0x1;
	p0 =	seq.s32 s7, s2  }
0x1e: {  	s7 =	smul.u32 @!p0 $0xF7A, s2;
	p2 =	seq.s32 @!p0 s5, $0x0  }
0x1f: {  	s9 =	smul.u32 $0xF7A, s1;
	s8 =	simm.s32 @!p0 $0x1BF5;
	p2 =	por !p2, p0  }
0x20: {  	[sflag:s8] =	ssyncset.s32 @!p0 $0xFFFFF086;
	s6 =	sadd.s32 @!p0 s3, s7;
	s7 =	simm.s32 @!p0 $0x108  }
0x21: {  	s3 =	sadd.s32 s3, s9;
	s6 =	sadd.s32 @!p0 $0x88, s6;
	s7 =	simm.s32 @p2 $0x1082  }
0x22: {  	[simem:s7], [sflag:s8] =	dma.local @!p0 [hbm:s6], $0xF7A  }
0x23: {  	s9 =	sor.u32 $0xD0000000, s2;
	s6 =	simm.s32 $0x108;
	_ =	swait.ge @!p0 [sflag:s8], $0x0  }
0x24: {  	s3 =	sadd.s32 $0x88, s3;
	s6 =	simm.s32 @!p1 $0x1082;
	[sflag:s4] =	ssyncset.s32 $0xFFFFF086  }
0x25: {  	[simem:s6], [sflag:s4] =	dma.local [hbm:s3], $0xF7A  }
0x26: {  	[smem:$0x3F96] =	sst s1;
	(tag) =	ssettag s2;
	_ =	strace s9  }
0x27: {  	s1 =	sld [smem:$0x3FA6]  }
0x28: {  	s2 =	sld [smem:$0x3FA7]  }
0x29: {  	s4 =	sld [smem:$0x3FA9]  }
0x2a: {  	p0 =	seq.s32 s5, $0x0;
	s5 =	sld [smem:$0x3FAA]  }
0x2b: {  	s6 =	sld [smem:$0x3FAB]  }
0x2c: {  	s7 =	sld [smem:$0x3FAC]  }
0x2d: {  	s3 =	simm.s32 $0x108;
	s8 =	sld [smem:$0x3FAD]  }
0x2e: {  	s3 =	simm.s32 @!p0 $0x1082;
	s9 =	sld [smem:$0x3FAE]  }
0x2f: {  	lr =	sadd.s32 s0, s3;
	s0 =	sld [smem:$0x3FA5]  }
0x30: {  	s3 =	sld [smem:$0x3FA8]  }
0x31: {  	[smem:$0x3FB1] =	sst s10  }
0x32: {  	s10 =	sld [smem:$0x3FAF];
	_ =	sdelay $0x3  }
0x33: {  	p0 =	seq.s32 s10, $0x1;
	s10 =	sld [smem:$0x3FB1];
	_ =	sdelay $0x3  }
0x34: {  	[smem:$0x3FB1] =	sst s10  }
0x35: {  	s10 =	sld [smem:$0x3FB0];
	_ =	sdelay $0x3  }
0x36: {  	p1 =	seq.s32 s10, $0x1;
	s10 =	sld [smem:$0x3FB1];
	_ =	sdelay $0x3  }
0x37: {  	[smem:$0x3FB1] =	sst s10  }
0x38: {  	s10 =	sld [smem:$0x3FB2]  }
0x39: {  	_ = 	snop;
	(pc) =	sbr.ind lr, $3  }
0x3a: {  	_ = 	snop  }
0x3b: {  	_ = 	snop  }
0x3c: {  	p2 =	seq.s32 s10, $0x1;
	s10 =	sld [smem:$0x3FB1]  }
0x3d: {  	_ =	shalt  }
0x3e: {  	_ =	shalt  }
0x3f: {  	_ =	shalt  }
0x40: {  	_ =	shalt  }
0x41: {  	_ =	shalt  }
0x42: {  	_ =	shalt  }
0x43: {  	_ =	shalt  }
0x44: {  	_ =	shalt  }
0x45: {  	_ =	shalt  }
0x46: {  	_ =	shalt  }
0x47: {  	_ =	shalt  }
0x48: {  	_ =	shalt  }
0x49: {  	_ =	shalt  }
0x4a: {  	_ =	shalt  }
0x4b: {  	_ =	shalt  }
0x4c: {  	_ =	shalt  }
0x4d: {  	_ =	shalt  }
0x4e: {  	_ =	shalt  }
0x4f: {  	_ =	shalt  }
0x50: {  	_ =	shalt  }
0x51: {  	_ =	shalt  }
0x52: {  	_ =	shalt  }
0x53: {  	_ =	shalt  }
0x54: {  	_ =	shalt  }
0x55: {  	_ =	shalt  }
0x56: {  	_ =	shalt  }
0x57: {  	_ =	shalt  }
0x58: {  	_ =	shalt  }
0x59: {  	_ =	shalt  }
0x5a: {  	_ =	shalt  }
0x5b: {  	_ =	shalt  }
0x5c: {  	_ =	shalt  }
0x5d: {  	_ =	shalt  }
0x5e: {  	_ =	shalt  }
0x5f: {  	_ =	shalt  }
0x60: {  	_ =	shalt  }
0x61: {  	_ =	shalt  }
0x62: {  	_ =	shalt  }
0x63: {  	_ =	shalt  }
0x64: {  	_ =	shalt  }
0x65: {  	_ =	shalt  }
0x66: {  	_ =	shalt  }
0x67: {  	_ =	shalt  }
0x68: {  	_ =	shalt  }
0x69: {  	_ =	shalt  }
0x6a: {  	_ =	shalt  }
0x6b: {  	_ =	shalt  }
0x6c: {  	_ =	shalt  }
0x6d: {  	_ =	shalt  }
0x6e: {  	_ =	shalt  }
0x6f: {  	_ =	shalt  }
0x70: {  	_ =	shalt  }
0x71: {  	_ =	shalt  }
0x72: {  	_ =	shalt  }
0x73: {  	_ =	shalt  }
0x74: {  	_ =	shalt  }
0x75: {  	_ =	shalt  }
0x76: {  	_ =	shalt  }
0x77: {  	_ =	shalt  }
0x78: {  	_ =	shalt  }
0x79: {  	_ =	shalt  }
0x7a: {  	_ =	shalt  }
0x7b: {  	_ =	shalt  }
0x7c: {  	_ =	shalt  }
0x7d: {  	_ =	shalt  }
0x7e: {  	_ =	shalt  }
0x7f: {  	_ =	shalt  }
0x80: {  	_ =	shalt  }
0x81: {  	_ =	shalt  }
0x82: {  	_ =	shalt  }
0x83: {  	_ =	shalt  }
0x84: {  	_ =	shalt  }
0x85: {  	_ =	shalt  }
0x86: {  	_ =	shalt  }
0x87: {  	_ =	shalt  }
.Lfunc_end0:
.L_simem_size_0:
called_computation_lowered:
.L_overlay_start_0:
0x88: {  	s2 =	sld [smem:$0x3FD9]  }
0x89: {  	s3 =	sld [smem:$0x3FFE];
	_ =	sdelay $0x1  }
0x8a: {  	s1 =	srdreg.scid  }
0x8b: {  	s0 =	sand.u32 $0x1, s1  }
0x8c: {  	s17 =	sshll.u32 s0, $0xA;
	s2 =	sadd.s32 s3, s2  }
0x8d: {  	s2 =	sadd.s32 s2, s17  }
0x8e: {  	[smem:$0x3FBD] =	sst s2  }
0x8f: {  	_ = 	snop  }
0x90: {  	s2 =	sld [smem:$0x3FC3]  }
0x91: {  	s18 =	sld [smem:$0x3FC0]  }
0x92: {  	s4 =	sld [smem:$0x3FBF]  }
0x93: {  	s5 =	sld [smem:$0x3FD0];
	(tm) =	ssettm $0x1  }
0x94: {  	s6 =	sld [smem:$0x3FFB];
	_ =	sdelay $0x3  }
0x95: {  	_ =	strace s6  }
0x96: {  	s6 =	sld [smem:$0x3FFC];
	_ =	sdelay $0x3  }
0x97: {  	_ =	strace s6  }
0x98: {  	s6 =	sld [smem:$0x3FFD];
	_ =	sdelay $0x3  }
0x99: {  	_ =	strace s6  }
0x9a: {  	_ =	strace $0x8FFFFFFF  }
0x9b: {  	s19 =	sld [smem:$0x3FDB];
	_ =	sdelay $0x1  }
0x9c: {  	s7 =	simm.s32 $_scs_section_size  }
0x9d: {  	s8 =	simm.s32 $_size__tile_overlayer_lowered;
	s9 =	simm.s32 $_tile_overlayer_lowered  }
0x9e: {  	s22 =	simm.s32 $0x1BFF;
	s21 =	sshll.u32 s9, $0x1;
	s6 =	sadd.s32 s7, s19  }
0x9f: {  	s10 =	simm.s32 $0x0;
	s20 =	sshll.u32 s8, $0x1;
	s8 =	sadd.s32 s21, s6  }
0xa0: {  	[timem:s10], [sflag:s22] =	dma.local [hbm:s8], s20  }
0xa1: {  	_ =	swait.ge [sflag:s22], s20  }
0xa2: {  	s7 =	ssub.s32 $0x0, s20;
	[sflag:s22] =	ssyncset.done $0x0  }
0xa3: {  	[sflag:s22] =	ssyncadd.s32 s7;
	_ =	sdelay $0x1  }
0xa4: {  	s23 =	simm.s32 $0x1B8B  }
0xa5: {  	_ =	swait.ge [sflag:s23], $0x1  }
0xa6: {  	[sflag:s23] =	ssyncset.done $0x0  }
0xa7: {  	s25 =	simm.s32 $0x1B8E;
	s24 =	sld [smem:$0x3FFE];
	[sflag:s23] =	ssyncadd.s32 $0xFFFFFFFF  }
0xa8: {  	s26 =	simm.s32 $execute0_lowered;
	[smem:$0x3FD2] =	sst s25  }
0xa9: {  	s8 =	sshll.u32 s26, $0x1;
	_ =	strace $0x80000046;
	[dreg:$0x1] =	wrdreg $0xFFFFFFFF  }
0xaa: {  	s28 =	simm.s32 $_size_execute0_lowered;
	s6 =	sadd.s32 s6, s8;
	[dreg:$0x0] =	wrdreg $0x0  }
0xab: {  	s8 =	sshll.u32 s28, $0x1;
	[dreg:$0x2] =	wrdreg s6  }
0xac: {  	[dreg:$0x3] =	wrdreg s8  }
0xad: {  	[dreg:$0x4] =	wrdreg $0xC0  }
0xae: {  	_ =	task [dreg:s10], $0x5FFFF  }
0xaf: {  	[dreg:$0x1] =	wrdreg $0xFFFFFFFF  }
0xb0: {  	[dreg:$0x0] =	wrdreg $0x60  }
0xb1: {  	[dreg:$0x2] =	wrdreg s24  }
0xb2: {  	[dreg:$0x3] =	wrdreg s2  }
0xb3: {  	[dreg:$0x4] =	wrdreg s18  }
0xb4: {  	[dreg:$0x5] =	wrdreg s4  }
0xb5: {  	[dreg:$0x6] =	wrdreg s5  }
0xb6: {  	[dreg:$0x7] =	wrdreg $0x9  }
0xb7: {  	_ =	task.clear_ibuf [dreg:s10], $0x8FFFF;
	_ =	strace $0x90000046  }
0xb8: {  	s29 =	simm.s32 $0x9;
	_ =	strace $0x80000048  }
0xb9: {  	_ =	swait.ge [sflag:s29], $0x1  }
0xba: {  	[sflag:s29] =	ssyncadd.s32 $0xFFFFFFFF  }
0xbb: {  	_ =	strace $0x90000048  }
0xbc: {  	_ =	sfence  }
0xbd: {  	s30 =	sld [smem:$0x0];
	_ =	sdelay $0x2  }
0xbe: {  	s31 =	sshll.u32 s1, $0xD;
	s1 =	sshrl.u32 s1, $0x2  }
0xbf: {  	s3 =	sand.u32 $0x4000, s31;
	s1 =	sadd.s32 s1, s30  }
0xc0: {  	s0 =	sor.u32 s3, s0;
	s1 =	sshll.u32 s1, $0x11  }
0xc1: {  	s0 =	sor.u32 s1, s0  }
0xc2: {  	s0 =	sadd.s32 $0x8F2B, s0  }
0xc3: {  	[sflag:s0] =	ssyncadd.remote.s32 $0x1  }
0xc4: {  	_ =	sfence.sel $0xFFFF  }
0xc5: {  	[dreg:$0x0] =	wrdreg $0xFFFFFFFF;
	(pc) =	sbr.abs _section_cstart, $3  }
0xc6: {  	[dreg:$0x1] =	wrdreg $0xFFFFFFFF  }
0xc7: {  	_ =	task.clear_ibuf [dreg:s10], $0x2FFFF;
	_ =	strace $0x9FFFFFFF  }
0xc8: {  	(tm) =	ssettm $0x7FFFFFFF  }
0xc9: {  	_ =	shalt  }
tec
execute0_lowered:
.L_overlay_start_1:
0x0: {  	(tag) =	ssettag $0x1  }
0x1: {  	s0 =	rddreg [dreg:$0x0]  }
0x2: {  	s1 =	rddreg [dreg:$0x1]  }
0x3: {  	s2 =	srdreg.scid;
	s3 =	stileid.u32  }
0x4: {  	s5 =	rddreg [dreg:$0x4];
	s7 =	simm.s32 $0x0;
	s15 =	simm.s32 $0x5  }
0x5: {  	s16 =	simm.s32 $0x2800;
	s17 =	simm.s32 $0x4000;
	s18 =	simm.s32 $0x5800  }
0x6: {  	s28 =	simm.s32 $0x17000;
	s29 =	simm.s32 $0x16F00;
	s30 =	simm.s32 $0x16F80  }
0x7: {  	s2 =	sand.u32 $0x1, s2;
	s3 =	sshll.u32 s3, $0x1;
	[smem:$0x7FF] =	sst s7  }
0x8: {  	s4 =	sadd.s32 $0x600, s0;
	s22 =	sadd.s32 $0xE600, s0;
	s3 =	sor.u32 s2, s3  }
0x9: {  	_ =	strace $0x80000047;
	[dreg:$0x6] =	wrdreg s4;
	s6 =	smul.u32 $0x1900, s3  }
0xa: {  	s31 =	simm.s32 $0x2;
	s23 =	sadd.s32 $0xE200, s0;
	[dreg:$0x7] =	wrdreg s22  }
0xb: {  	s2 =	ssub.s32 $0x2, s2;
	[dreg:$0x8] =	wrdreg s23;
	s3 =	sshrl.u32 s6, $0x3  }
0xc: {  	s23 =	simm.s32 $0x80;
	s3 =	sadd.s32 s3, s0;
	s0 =	sadd.s32 $0xC00, s0  }
0xd: {  	s4 =	simm.s32 $0x0;
	s24 =	sshrl.u32 s2, $0x1;
	[dreg:$0x9] =	wrdreg s0  }
0xe: {  	s0 =	ssub.s32 s2, s24;
	s25 =	sadd.s32 $0x1A00, s3;
	s26 =	sadd.s32 $0x7E00, s3  }
0xf: {  	s24 =	simm.s32 $0xEF00;
	s3 =	simm.s32 $0x4;
	[dreg:$0xa] =	wrdreg s25  }
0x10: {  	v0 =	vlaneseq.u32;
	s2 =	simm.s32 $0x3;
	[dreg:$0xb] =	wrdreg s26;
	s14 =	smax.u32 s0, $0x1  }
0x11: {  	v1 =	vmul.u32 $0x80, v0;
	s25 =	simm.s32 $0x12F00;
	s26 =	simm.s32 $0x1;
	s0 =	simm.s32 $0x1B000  }
.LBB2_1:
0x12: {  	s8 =	rddreg [dreg:$0x6]  }
0x13: {  	[tilespmem:s7], [sflag:$0x5] =	stream.linear.gather [hbm4b:s8+s7], $0x2580, $0x38;
	[tilespmem:$0x1F000] =	vst v63  }
0x14: {  	_ =	swait.ge [sflag:s15], $0x2580  }
0x15: {  	[sflag:s15] =	ssyncset.done $0x0  }
0x16: {  	s22 =	rddreg [dreg:$0x7];
	[sflag:s15] =	ssyncadd.s32 $0xFFFFDA80  }
0x17: {  	[tilespmem:s16], [sflag:$0x5] =	stream.linear.gather [hbm4b:s22+s7], $0x1800, $0x38;
	[tilespmem:$0x1F000] =	vst v63  }
0x18: {  	_ =	swait.ge [sflag:s15], $0x1800  }
0x19: {  	[sflag:s15] =	ssyncset.done $0x0  }
0x1a: {  	s9 =	rddreg [dreg:$0x8];
	[sflag:s15] =	ssyncadd.s32 $0xFFFFE800  }
0x1b: {  	[tilespmem:s17], [sflag:$0x5] =	stream.linear.gather [hbm4b:s9+s7], $0x1800, $0x38;
	[tilespmem:$0x1F000] =	vst v63  }
0x1c: {  	_ =	swait.ge [sflag:s15], $0x1800  }
0x1d: {  	[sflag:s15] =	ssyncset.done $0x0  }
0x1e: {  	s10 =	rddreg [dreg:$0x9];
	[sflag:s15] =	ssyncadd.s32 $0xFFFFE800  }
0x1f: {  	[tilespmem:s18], [sflag:$0x5] =	stream.linear.gather [hbm4b:s10+s7], $0x6400, $0x38;
	[tilespmem:$0x1F000] =	vst v63  }
0x20: {  	_ =	swait.ge [sflag:s15], $0x6400  }
0x21: {  	[sflag:s15] =	ssyncset.done $0x0  }
0x22: {  	[sflag:s15] =	ssyncadd.s32 $0xFFFF9C00  }
0x23: {  	s9 =	simm.s32 $0xBC00;
	s11 =	rddreg [dreg:$0x2]  }
0x24: {  	[tilespmem:s9], [sflag:$0x5] =	stream.linear.gather [hbm4b:s11+s7], $0x80, $0x38;
	[tilespmem:$0x1F000] =	vst v63  }
0x25: {  	_ =	swait.ge [sflag:s15], $0x80  }
0x26: {  	[sflag:s15] =	ssyncset.done $0x0  }
0x27: {  	[sflag:s15] =	ssyncadd.s32 $0xFFFFFF80  }
0x28: {  	s13 =	simm.s32 $0xBC80;
	s12 =	rddreg [dreg:$0x3]  }
0x29: {  	[tilespmem:s13], [sflag:$0x5] =	stream.linear.gather [hbm4b:s12+s7], $0x80, $0x38;
	[tilespmem:$0x1F000] =	vst v63  }
0x2a: {  	_ =	swait.ge [sflag:s15], $0x80  }
0x2b: {  	[sflag:s15] =	ssyncset.done $0x0  }
0x2c: {  	s20 =	simm.s32 $0xBD00;
	s19 =	rddreg [dreg:$0xa];
	[sflag:s15] =	ssyncadd.s32 $0xFFFFFF80  }
0x2d: {  	[tilespmem:s20], [sflag:$0x5] =	stream.linear.gather [hbm4b:s19+s7], $0x1900, $0x38;
	[tilespmem:$0x1F000] =	vst v63  }
0x2e: {  	_ =	swait.ge [sflag:s15], $0x1900  }
0x2f: {  	[sflag:s15] =	ssyncset.done $0x0  }
0x30: {  	s22 =	simm.s32 $0xD600;
	s21 =	rddreg [dreg:$0xb];
	[sflag:s15] =	ssyncadd.s32 $0xFFFFE700  }
0x31: {  	[tilespmem:s22], [sflag:$0x5] =	stream.linear.gather [hbm4b:s21+s7], $0x1900, $0x38;
	[tilespmem:$0x1F000] =	vst v63  }
0x32: {  	_ =	swait.ge [sflag:s15], $0x1900  }
0x33: {  	[sflag:s15] =	ssyncset.done $0x0  }
0x34: {  	[sflag:s15] =	ssyncadd.s32 $0xFFFFE700  }
0x35: {  	v2 =	vld [tilespmem:$0xBC00]  }
0x36: {  	v3 =	vld [tilespmem:$0xBC10]  }
0x37: {  	v4 =	vld [tilespmem:$0xBC20]  }
0x38: {  	v5 =	vld [tilespmem:$0xBC30]  }
0x39: {  	v6 =	vld [tilespmem:$0xBC40]  }
0x3a: {  	v7 =	vld [tilespmem:$0xBC50]  }
0x3b: {  	v8 =	vld [tilespmem:$0xBC60]  }
0x3c: {  	v9 =	vld [tilespmem:$0xBC70]  }
0x3d: {  	v10 =	vld [tilespmem:$0xBC80]  }
0x3e: {  	v11 =	vld [tilespmem:$0xBC90]  }
0x3f: {  	v12 =	vld [tilespmem:$0xBCA0]  }
0x40: {  	v16 =	vld [tilespmem:$0xBCE0]  }
0x41: {  	v17 =	vld [tilespmem:$0xBCF0]  }
0x42: {  	v13 =	vld [tilespmem:$0xBCB0]  }
0x43: {  	s19 =	simm.s32 $0x0;
	v14 =	vld [tilespmem:$0xBCC0]  }
0x44: {  	v15 =	vld [tilespmem:$0xBCD0];
	[tilespmem:s24], [sflag:$0x1] =	stream.indirect.gather [hbm4b:s1+s23], $0x80, s22, s23, $0xb8  }
.LBB2_2:
0x45: {  	s8 =	sshllo.u32 s19, $0x1  }
0x46: {  	s20 =	sshll.u32 s8, $0x7  }
0x47: {  	s8 =	sand.u32 $0x3FFFFF80, s20  }
0x48: {  	s8 =	sadd.s32 $0xD600, s8  }
0x49: {  	[tilespmem:s25], [sflag:$0x2] =	stream.indirect.gather [hbm4b:s1+s23], $0x80, s8, s23, $0xb8;
	[tilespmem:$0x1F000] =	vst v63  }
0x4a: {  	_ =	swait.ge [sflag:s26], $0x4000  }
0x4b: {  	p0 =	seq.s32 s19, $0x0;
	[sflag:s26] =	ssyncset.done $0x0  }
0x4c: {  	s8 =	simm.s32 @!p0 $0x3;
	[sflag:s26] =	ssyncadd.s32 $0xFFFFC000  }
0x4d: {  	s21 =	sshll.u32 s19, $0x8;
	_ =	swait.ge @!p0 [sflag:s8], $0x4000  }
0x4e: {  	s22 =	sadd.s32 s6, s21;
	s9 =	sadd.s32 $0xBD00, s21;
	[sflag:s8] =	ssyncset.done @!p0 $0x0  }
0x4f: {  	v18 =	vor.u32 s22, v0;
	v19 =	vmov s9;
	s9 =	simm.s32 $0x0;
	[sflag:s8] =	ssyncadd.s32 @!p0 $0xFFFFC000;
	s8 =	simm.s32 $0x0  }
.LBB2_3:
0x50: {  	_ =	sdelay $0x2  }
0x51: {  	s10 =	sshll.u32 s9, $0x4  }
0x52: {  	v23 =	vld.idx.msk [tilespmem:v19+s10+$0x0 ss:$0x1], $0xffff;
	v20 =	vor.u32 s10, v18  }
0x53: {  	v21 =	vmulhi.u32 $0x51EB851F, v20;
	_ =	sdelay $0x1  }
0x54: {  	v21 =	vshrl.u32 v21, $0x6  }
0x55: {  	v21 =	vmul.u32 $0xC8, v21  }
0x56: {  	v26 =	vadd.s32 s8, v0;
	v22 =	vshll.u32 v23, $0x7  }
0x57: {  	v27 =	vand.u32 $0x3F, v26;
	v21 =	vsub.s32 v20, v21;
	v20 =	vand.u32 $0x3F80, v22  }
0x58: {  	v22 =	vshrl.u32 v23, $0x6;
	v23 =	vand.u32 $0x1F80, v23;
	v25 =	vor.u32 v20, v27  }
0x59: {  	v21 =	vshll.u32 v21, $0x7;
	v30 =	vor.u32 v23, v27  }
0x5a: {  	v22 =	vand.u32 $0x3FFFF80, v22;
	v28 =	vor.u32 v21, v27  }
0x5b: {  	v24 =	vmov s10;
	v29 =	vor.u32 v22, v27  }
0x5c: {  	v24 =	vshll.u32 v24, $0x7  }
0x5d: {  	v24 =	vor.u32 v1, v24;
	v31 =	vld.idx.msk [tilespmem:v25+s7+$0x0], $0xffff  }
0x5e: {  	v27 =	vor.u32 v24, v27;
	v25 =	vor.u32 $0x40, v24;
	v30 =	vld.idx.msk [tilespmem:v30+s16+$0x0], $0xffff  }
0x5f: {  	v28 =	vld.idx.msk [tilespmem:v28+s18+$0x0], $0xffff;
	v26 =	vor.u32 v26, v25  }
0x60: {  	v29 =	vld.idx.msk [tilespmem:v29+s17+$0x0], $0xffff;
	_ =	sdelay $0x2  }
0x61: {  	v32 =	vld.idx.msk [tilespmem:v27+s24+$0x0], $0xffff;
	v33 =	vshll.u32 v31, $0x10  }
0x62: {  	v37 =	vshll.u32 v30, $0x10;
	v31 =	vand.u32 $0xFFFF0000, v31;
	v30 =	vand.u32 $0xFFFF0000, v30;
	v34 =	vld.idx.msk [tilespmem:v26+s24+$0x0], $0xffff  }
0x63: {  	v35 =	vshll.u32 v28, $0x10;
	v28 =	vand.u32 $0xFFFF0000, v28;
	v36 =	vshll.u32 v29, $0x10  }
0x64: {  	s11 =	simm.s32 $0x1;
	v29 =	vand.u32 $0xFFFF0000, v29;
	v33 =	vadd.f32 v37, v33;
	v35 =	vadd.f32 v35, v36  }
0x65: {  	v28 =	vadd.f32 v28, v29;
	v29 =	vadd.f32 v30, v31;
	v30 =	vadd.s32 s11, v0  }
0x66: {  	v32 =	vmul.f32 $1.131370830e+01, v32;
	v30 =	vand.u32 $0x3F, v30;
	v31 =	vadd.f32 v35, v33  }
0x67: {  	v28 =	vadd.f32 v28, v29;
	v38 =	vor.u32 v23, v30;
	v29 =	vmul.f32 $1.131370830e+01, v34  }
0x68: {  	v39 =	vor.u32 v21, v30;
	v31 =	vadd.f32 v31, v32  }
0x69: {  	v28 =	vadd.f32 v28, v29;
	v29 =	vor.u32 v20, v30  }
0x6a: {  	[tilespmem:v27+s28+$0x0] =	vst.idx.msk $0xffff, v31;
	v27 =	vor.u32 v22, v30  }
0x6b: {  	[tilespmem:v26+s28+$0x0] =	vst.idx.msk $0xffff, v28  }
0x6c: {  	v26 =	vld.idx.msk [tilespmem:v38+s16+$0x0], $0xffff  }
0x6d: {  	v40 =	vor.u32 v24, v30;
	v32 =	vld.idx.msk [tilespmem:v39+s18+$0x0], $0xffff  }
0x6e: {  	v30 =	vor.u32 v30, v25;
	v29 =	vld.idx.msk [tilespmem:v29+s7+$0x0], $0xffff  }
0x6f: {  	v27 =	vld.idx.msk [tilespmem:v27+s17+$0x0], $0xffff;
	_ =	sdelay $0x2  }
0x70: {  	v41 =	vld.idx.msk [tilespmem:v40+s24+$0x0], $0xffff;
	v42 =	vshll.u32 v26, $0x10  }
0x71: {  	v43 =	vld.idx.msk [tilespmem:v30+s24+$0x0], $0xffff;
	v44 =	vand.u32 $0xFFFF0000, v32;
	v32 =	vshll.u32 v32, $0x10;
	v26 =	vand.u32 $0xFFFF0000, v26  }
0x72: {  	v38 =	vshll.u32 v29, $0x10;
	v29 =	vand.u32 $0xFFFF0000, v29;
	v45 =	vshll.u32 v27, $0x10  }
0x73: {  	s12 =	simm.s32 $0x2;
	v27 =	vand.u32 $0xFFFF0000, v27;
	v35 =	vadd.f32 v42, v38;
	v32 =	vadd.f32 v32, v45  }
0x74: {  	v27 =	vadd.f32 v44, v27;
	v26 =	vadd.f32 v26, v29;
	v29 =	vadd.s32 s12, v0  }
0x75: {  	v34 =	vmul.f32 $1.131370830e+01, v41;
	v29 =	vand.u32 $0x3F, v29;
	v32 =	vadd.f32 v32, v35  }
0x76: {  	v26 =	vadd.f32 v27, v26;
	v27 =	vmul.f32 $1.131370830e+01, v43;
	v46 =	vor.u32 v21, v29  }
0x77: {  	v47 =	vor.u32 v23, v29;
	v32 =	vadd.f32 v32, v34  }
0x78: {  	v36 =	vadd.f32 v26, v27;
	v26 =	vor.u32 v22, v29  }
0x79: {  	v27 =	vor.u32 v20, v29;
	[tilespmem:v40+s28+$0x0] =	vst.idx.msk $0xffff, v32  }
0x7a: {  	[tilespmem:v30+s28+$0x0] =	vst.idx.msk $0xffff, v36  }
0x7b: {  	v30 =	vld.idx.msk [tilespmem:v46+s18+$0x0], $0xffff  }
0x7c: {  	v48 =	vor.u32 v24, v29;
	v33 =	vld.idx.msk [tilespmem:v47+s16+$0x0], $0xffff  }
0x7d: {  	v29 =	vor.u32 v29, v25;
	v49 =	vld.idx.msk [tilespmem:v26+s17+$0x0], $0xffff  }
0x7e: {  	v27 =	vld.idx.msk [tilespmem:v27+s7+$0x0], $0xffff  }
0x7f: {  	s13 =	simm.s32 $0x3;
	v50 =	vmul.f32 v31, v31;
	v51 =	vmul.f32 v28, v28  }
0x80: {  	v54 =	vadd.s32 s13, v0  }
0x81: {  	v28 =	vadd.f32 v28, v31;
	v31 =	vadd.f32 v51, v50;
	v52 =	vld.idx.msk [tilespmem:v48+s24+$0x0], $0xffff;
	v53 =	vshll.u32 v33, $0x10  }
0x82: {  	v39 =	vld.idx.msk [tilespmem:v29+s24+$0x0], $0xffff;
	v33 =	vand.u32 $0xFFFF0000, v33;
	v40 =	vand.u32 $0xFFFF0000, v30;
	v30 =	vshll.u32 v30, $0x10  }
0x83: {  	v41 =	vshll.u32 v49, $0x10;
	v35 =	vand.u32 $0xFFFF0000, v49;
	v42 =	vshll.u32 v27, $0x10  }
0x84: {  	v27 =	vand.u32 $0xFFFF0000, v27;
	v30 =	vadd.f32 v30, v41;
	v38 =	vadd.f32 v53, v42  }
0x85: {  	v26 =	vimm.f32 $0.0e+00;
	v35 =	vadd.f32 v40, v35;
	v27 =	vadd.f32 v33, v27  }
0x86: {  	v37 =	vmul.f32 $1.131370830e+01, v52;
	v33 =	vand.u32 $0x3F, v54;
	v30 =	vadd.f32 v30, v38  }
0x87: {  	v55 =	vmul.f32 $1.131370830e+01, v39;
	v56 =	vor.u32 v23, v33;
	v35 =	vadd.f32 v35, v27  }
0x88: {  	v57 =	vor.u32 v21, v33;
	v27 =	vadd.f32 v28, v26;
	v30 =	vadd.f32 v30, v37  }
0x89: {  	v58 =	vor.u32 v20, v33;
	v28 =	vadd.f32 v31, v26;
	v31 =	vadd.f32 v35, v55  }
0x8a: {  	v60 =	vor.u32 v22, v33;
	[tilespmem:v48+s28+$0x0] =	vst.idx.msk $0xffff, v30  }
0x8b: {  	[tilespmem:v29+s28+$0x0] =	vst.idx.msk $0xffff, v31  }
0x8c: {  	v59 =	vmul.f32 v32, v32;
	v34 =	vor.u32 v24, v33;
	v62 =	vld.idx.msk [tilespmem:v56+s16+$0x0], $0xffff  }
0x8d: {  	v61 =	vmul.f32 v36, v36;
	v32 =	vadd.f32 v36, v32;
	v35 =	vor.u32 v33, v25;
	v36 =	vld.idx.msk [tilespmem:v57+s18+$0x0], $0xffff  }
0x8e: {  	v43 =	vmul.f32 v31, v31;
	v29 =	vmul.f32 v30, v30;
	v39 =	vld.idx.msk [tilespmem:v58+s7+$0x0], $0xffff  }
0x8f: {  	v38 =	vadd.f32 v61, v59;
	v30 =	vadd.f32 v31, v30;
	v40 =	vld.idx.msk [tilespmem:v60+s17+$0x0], $0xffff  }
0x90: {  	v32 =	vadd.f32 v32, v26;
	v63 =	vadd.f32 v43, v29  }
0x91: {  	v33 =	vimm.f32 $0.0e+00;
	v37 =	vld.idx.msk [tilespmem:v34+s24+$0x0], $0xffff;
	v29 =	vadd.f32 v38, v26;
	v31 =	vadd.f32 v30, v26  }
0x92: {  	s11 =	simm.s32 $0x4;
	v38 =	vld.idx.msk [tilespmem:v35+s24+$0x0], $0xffff;
	v30 =	vadd.f32 v63, v26;
	v42 =	vshll.u32 v62, $0x10;
	v41 =	vand.u32 $0xFFFF0000, v62  }
.LBB2_4:
0x93: {  	p1 =	sne.s32 s11, $0x3C;
	v43 =	vand.u32 $0xFFFF0000, v39;
	v44 =	vand.u32 $0xFFFF0000, v36;
	s12 =	smov.u32 s11;
	s11 =	sadd.s32 $0x4, s11  }
0x94: {  	v39 =	vshll.u32 v39, $0x10;
	v45 =	vshll.u32 v40, $0x10;
	v40 =	vand.u32 $0xFFFF0000, v40  }
0x95: {  	v36 =	vshll.u32 v36, $0x10;
	v39 =	vadd.f32 v42, v39;
	v41 =	vadd.f32 v41, v43  }
0x96: {  	v36 =	vadd.f32 v36, v45;
	v40 =	vadd.f32 v44, v40  }
0x97: {  	v42 =	vadd.s32 s12, v0;
	v37 =	vmul.f32 $1.131370830e+01, v37;
	v38 =	vmul.f32 $1.131370830e+01, v38  }
0x98: {  	v43 =	vand.u32 $0x3F, v42;
	v36 =	vadd.f32 v36, v39;
	v39 =	vadd.f32 v40, v41  }
0x99: {  	v40 =	vor.u32 v20, v43;
	v41 =	vor.u32 v23, v43  }
0x9a: {  	v44 =	vor.u32 v21, v43;
	v36 =	vadd.f32 v36, v37;
	v37 =	vadd.f32 v39, v38  }
0x9b: {  	v38 =	vor.u32 v22, v43  }
0x9c: {  	v39 =	vmul.f32 v37, v37;
	[tilespmem:v34+s28+$0x0] =	vst.idx.msk $0xffff, v36;
	v34 =	vmul.f32 v36, v36  }
0x9d: {  	[tilespmem:v35+s28+$0x0] =	vst.idx.msk $0xffff, v37;
	v35 =	vadd.f32 v37, v36  }
0x9e: {  	v36 =	vld.idx.msk [tilespmem:v40+s7+$0x0], $0xffff;
	v34 =	vadd.f32 v39, v34  }
0x9f: {  	v39 =	vor.u32 v24, v43;
	v37 =	vld.idx.msk [tilespmem:v44+s18+$0x0], $0xffff;
	v26 =	vadd.f32 v35, v26  }
0xa0: {  	v35 =	vld.idx.msk [tilespmem:v38+s17+$0x0], $0xffff;
	v38 =	vor.u32 v42, v25;
	v33 =	vadd.f32 v34, v33  }
0xa1: {  	v34 =	vld.idx.msk [tilespmem:v41+s16+$0x0], $0xffff;
	_ =	sdelay $0x2  }
0xa2: {  	v41 =	vshll.u32 v36, $0x10;
	v40 =	vld.idx.msk [tilespmem:v39+s24+$0x0], $0xffff  }
0xa3: {  	v43 =	vshll.u32 v37, $0x10;
	v37 =	vand.u32 $0xFFFF0000, v37;
	v42 =	vld.idx.msk [tilespmem:v38+s24+$0x0], $0xffff  }
0xa4: {  	v44 =	vshll.u32 v35, $0x10;
	v35 =	vand.u32 $0xFFFF0000, v35  }
0xa5: {  	v45 =	vshll.u32 v34, $0x10;
	v43 =	vadd.f32 v43, v44;
	v35 =	vadd.f32 v37, v35  }
0xa6: {  	s13 =	sadd.s32 $0x1, s12;
	v36 =	vand.u32 $0xFFFF0000, v36;
	v34 =	vand.u32 $0xFFFF0000, v34;
	v37 =	vadd.f32 v45, v41  }
0xa7: {  	v34 =	vadd.f32 v34, v36;
	v36 =	vadd.s32 s13, v0  }
0xa8: {  	v36 =	vand.u32 $0x3F, v36;
	v37 =	vadd.f32 v43, v37;
	v40 =	vmul.f32 $1.131370830e+01, v40  }
0xa9: {  	v34 =	vadd.f32 v35, v34;
	v41 =	vor.u32 v23, v36;
	v35 =	vmul.f32 $1.131370830e+01, v42  }
0xaa: {  	v37 =	vadd.f32 v37, v40;
	v40 =	vor.u32 v21, v36  }
0xab: {  	v34 =	vadd.f32 v34, v35;
	v35 =	vor.u32 v20, v36  }
0xac: {  	[tilespmem:v39+s28+$0x0] =	vst.idx.msk $0xffff, v37;
	v39 =	vor.u32 v22, v36  }
0xad: {  	v42 =	vmul.f32 v34, v34;
	[tilespmem:v38+s28+$0x0] =	vst.idx.msk $0xffff, v34;
	v38 =	vmul.f32 v37, v37  }
0xae: {  	v34 =	vadd.f32 v34, v37;
	v37 =	vld.idx.msk [tilespmem:v41+s16+$0x0], $0xffff  }
0xaf: {  	v41 =	vor.u32 v24, v36;
	v38 =	vadd.f32 v42, v38;
	v40 =	vld.idx.msk [tilespmem:v40+s18+$0x0], $0xffff  }
0xb0: {  	v27 =	vadd.f32 v34, v27;
	v34 =	vld.idx.msk [tilespmem:v35+s7+$0x0], $0xffff;
	v35 =	vor.u32 v36, v25  }
0xb1: {  	v28 =	vadd.f32 v38, v28;
	v36 =	vld.idx.msk [tilespmem:v39+s17+$0x0], $0xffff;
	_ =	sdelay $0x2  }
0xb2: {  	v38 =	vld.idx.msk [tilespmem:v41+s24+$0x0], $0xffff  }
0xb3: {  	v42 =	vshll.u32 v37, $0x10;
	v43 =	vand.u32 $0xFFFF0000, v40;
	v39 =	vld.idx.msk [tilespmem:v35+s24+$0x0], $0xffff  }
0xb4: {  	v40 =	vshll.u32 v40, $0x10;
	v44 =	vshll.u32 v34, $0x10;
	v34 =	vand.u32 $0xFFFF0000, v34  }
0xb5: {  	v42 =	vadd.f32 v42, v44;
	v44 =	vshll.u32 v36, $0x10;
	v36 =	vand.u32 $0xFFFF0000, v36  }
0xb6: {  	s13 =	sadd.s32 $0x2, s12;
	v37 =	vand.u32 $0xFFFF0000, v37;
	v40 =	vadd.f32 v40, v44;
	v36 =	vadd.f32 v43, v36  }
0xb7: {  	v34 =	vadd.f32 v37, v34;
	v37 =	vadd.s32 s13, v0  }
0xb8: {  	v37 =	vand.u32 $0x3F, v37;
	v40 =	vadd.f32 v40, v42;
	v38 =	vmul.f32 $1.131370830e+01, v38  }
0xb9: {  	v34 =	vadd.f32 v36, v34;
	v36 =	vmul.f32 $1.131370830e+01, v39;
	v39 =	vor.u32 v21, v37  }
0xba: {  	v38 =	vadd.f32 v40, v38;
	v40 =	vor.u32 v23, v37  }
0xbb: {  	v34 =	vadd.f32 v34, v36;
	v36 =	vor.u32 v22, v37  }
0xbc: {  	[tilespmem:v41+s28+$0x0] =	vst.idx.msk $0xffff, v38;
	v41 =	vor.u32 v20, v37  }
0xbd: {  	v42 =	vmul.f32 v34, v34;
	[tilespmem:v35+s28+$0x0] =	vst.idx.msk $0xffff, v34;
	v35 =	vmul.f32 v38, v38  }
0xbe: {  	v34 =	vadd.f32 v34, v38;
	v38 =	vld.idx.msk [tilespmem:v39+s18+$0x0], $0xffff  }
0xbf: {  	v35 =	vadd.f32 v42, v35;
	v39 =	vld.idx.msk [tilespmem:v40+s16+$0x0], $0xffff;
	v40 =	vor.u32 v24, v37  }
0xc0: {  	v32 =	vadd.f32 v34, v32;
	v34 =	vld.idx.msk [tilespmem:v36+s17+$0x0], $0xffff;
	v36 =	vor.u32 v37, v25  }
0xc1: {  	v29 =	vadd.f32 v35, v29;
	v35 =	vld.idx.msk [tilespmem:v41+s7+$0x0], $0xffff;
	_ =	sdelay $0x2  }
0xc2: {  	v37 =	vld.idx.msk [tilespmem:v40+s24+$0x0], $0xffff  }
0xc3: {  	v43 =	vand.u32 $0xFFFF0000, v38;
	v42 =	vshll.u32 v39, $0x10;
	v39 =	vand.u32 $0xFFFF0000, v39;
	v41 =	vld.idx.msk [tilespmem:v36+s24+$0x0], $0xffff  }
0xc4: {  	v38 =	vshll.u32 v38, $0x10;
	v44 =	vshll.u32 v34, $0x10;
	v34 =	vand.u32 $0xFFFF0000, v34  }
0xc5: {  	v45 =	vshll.u32 v35, $0x10;
	v38 =	vadd.f32 v38, v44;
	v34 =	vadd.f32 v43, v34  }
0xc6: {  	s12 =	sadd.s32 $0x3, s12;
	v35 =	vand.u32 $0xFFFF0000, v35;
	v42 =	vadd.f32 v42, v45  }
0xc7: {  	v35 =	vadd.f32 v39, v35;
	v39 =	vadd.s32 s12, v0  }
0xc8: {  	v39 =	vand.u32 $0x3F, v39;
	v38 =	vadd.f32 v38, v42;
	v37 =	vmul.f32 $1.131370830e+01, v37  }
0xc9: {  	v34 =	vadd.f32 v34, v35;
	v35 =	vmul.f32 $1.131370830e+01, v41;
	v41 =	vor.u32 v21, v39  }
0xca: {  	v37 =	vadd.f32 v38, v37;
	v38 =	vor.u32 v23, v39  }
0xcb: {  	v42 =	vor.u32 v20, v39;
	v35 =	vadd.f32 v34, v35  }
0xcc: {  	v34 =	vor.u32 v24, v39;
	[tilespmem:v40+s28+$0x0] =	vst.idx.msk $0xffff, v37;
	v40 =	vor.u32 v22, v39  }
0xcd: {  	v43 =	vmul.f32 v37, v37;
	v44 =	vmul.f32 v35, v35;
	[tilespmem:v36+s28+$0x0] =	vst.idx.msk $0xffff, v35  }
0xce: {  	v37 =	vadd.f32 v35, v37;
	v35 =	vor.u32 v39, v25;
	v36 =	vld.idx.msk [tilespmem:v41+s18+$0x0], $0xffff  }
0xcf: {  	v41 =	vadd.f32 v44, v43;
	v43 =	vld.idx.msk [tilespmem:v38+s16+$0x0], $0xffff  }
0xd0: {  	v31 =	vadd.f32 v37, v31;
	v39 =	vld.idx.msk [tilespmem:v42+s7+$0x0], $0xffff  }
.Ltmp0:
0xd1: {  	v30 =	vadd.f32 v41, v30;
	v40 =	vld.idx.msk [tilespmem:v40+s17+$0x0], $0xffff;
	(pc) =	sbr.rel @p1 .LBB2_4-.Ltmp0, $3  }
0xd2: {  	v37 =	vld.idx.msk [tilespmem:v34+s24+$0x0], $0xffff  }
0xd3: {  	v38 =	vld.idx.msk [tilespmem:v35+s24+$0x0], $0xffff;
	_ =	sdelay $0x1  }
0xd4: {  	v42 =	vshll.u32 v43, $0x10;
	v41 =	vand.u32 $0xFFFF0000, v43  }
0xd5: {  	v20 =	vand.u32 $0xFFFF0000, v39;
	v21 =	vand.u32 $0xFFFF0000, v36  }
0xd6: {  	v22 =	vshll.u32 v39, $0x10;
	v23 =	vshll.u32 v40, $0x10;
	v24 =	vand.u32 $0xFFFF0000, v40  }
0xd7: {  	v25 =	vshll.u32 v36, $0x10;
	v22 =	vadd.f32 v42, v22;
	v20 =	vadd.f32 v41, v20  }
0xd8: {  	v23 =	vadd.f32 v25, v23;
	v21 =	vadd.f32 v21, v24  }
0xd9: {  	v54 =	vmul.f32 $1.131370830e+01, v37  }
0xda: {  	v55 =	vmul.f32 $1.131370830e+01, v38;
	v22 =	vadd.f32 v23, v22;
	v20 =	vadd.f32 v21, v20;
	_ =	sdelay $0x1  }
0xdb: {  	v56 =	vadd.f32 v22, v54;
	v20 =	vadd.f32 v20, v55  }
0xdc: {  	v58 =	vadd.f32 v32, v27  }
0xdd: {  	v22 =	vmul.f32 v56, v56;
	v57 =	vmul.f32 v20, v20;
	v24 =	vadd.f32 v20, v56  }
0xde: {  	v60 =	vadd.f32 v29, v28;
	v25 =	vadd.f32 v31, v58  }
0xdf: {  	v22 =	vadd.f32 v57, v22;
	v59 =	vadd.f32 v24, v26  }
0xe0: {  	v24 =	vadd.f32 v30, v60  }
0xe1: {  	v22 =	vadd.f32 v22, v33;
	v23 =	vadd.f32 v59, v25;
	_ =	sdelay $0x1  }
0xe2: {  	v22 =	vadd.f32 v22, v24;
	v23 =	vmul.f32 $7.812500000e-03, v23;
	_ =	sdelay $0x1  }
0xe3: {  	v22 =	vmul.f32 $7.812500000e-03, v22;
	v61 =	vmul.f32 v23, v23;
	_ =	sdelay $0x1  }
0xe4: {  	v22 =	vsub.f32 v22, v61;
	_ =	sdelay $0x1  }
0xe5: {  	v22 =	vadd.f32 $9.999999960e-13, v22;
	_ =	sdelay $0x1  }
0xe6: {  	v62 =	vshrl.u32 v22, $0x1;
	v22 =	vmul.f32 $5.000000000e-01, v22  }
0xe7: {  	v24 =	vsub.s32 $0x5F3759DF, v62  }
0xe8: {  	v63 =	vmul.f32 v24, v22;
	_ =	sdelay $0x1  }
0xe9: {  	v25 =	vmul.f32 v24, v63;
	_ =	sdelay $0x1  }
0xea: {  	v25 =	vsub.f32 $1.500000000e+00, v25;
	_ =	sdelay $0x1  }
0xeb: {  	v24 =	vmul.f32 v24, v25;
	_ =	sdelay $0x1  }
0xec: {  	v25 =	vmul.f32 v24, v22;
	_ =	sdelay $0x1  }
0xed: {  	v25 =	vmul.f32 v25, v24;
	_ =	sdelay $0x1  }
0xee: {  	v25 =	vsub.f32 $1.500000000e+00, v25;
	_ =	sdelay $0x1  }
0xef: {  	v24 =	vmul.f32 v25, v24;
	_ =	sdelay $0x1  }
0xf0: {  	v22 =	vmul.f32 v24, v22;
	_ =	sdelay $0x1  }
0xf1: {  	s9 =	sadd.s32 $0x1, s9;
	v22 =	vmul.f32 v22, v24  }
0xf2: {  	p1 =	sne.s32 s9, $0x8  }
.Ltmp1:
0xf3: {  	v22 =	vsub.f32 $1.500000000e+00, v22;
	(pc) =	sbr.rel @p1 .LBB2_3-.Ltmp1, $4  }
0xf4: {  	[tilespmem:v34+s28+$0x0] =	vst.idx.msk $0xffff, v56  }
0xf5: {  	[tilespmem:v35+s28+$0x0] =	vst.idx.msk $0xffff, v20;
	v20 =	vmul.f32 v22, v24  }
0xf6: {  	[tilespmem:s10+$0x16F00] =	vst v23  }
0xf7: {  	[tilespmem:s10+$0x16F80] =	vst v20  }
0xf8: {  	s8 =	simm.s32 $0x0  }
0xf9: {  	v18 =	vmov s8;
	s8 =	simm.s32 $0x17040  }
0xfa: {  	v19 =	vld [tilespmem:s8+$0xFFFFFFF0]  }
0xfb: {  	v20 =	vld [tilespmem:s8+$0xFFFFFFE0]  }
0xfc: {  	v21 =	vld [tilespmem:s8+$0xFFFFFFD0]  }
0xfd: {  	v23 =	vld [tilespmem:s8+$0xFFFFFFC0]  }
0xfe: {  	v22 =	vld.idx.msk [tilespmem:v18+s29+$0x0], $0xffff  }
0xff: {  	v24 =	vld [tilespmem:s8+$0x0]  }
0x100: {  	v18 =	vld.idx.msk [tilespmem:v18+s30+$0x0], $0xffff  }
0x101: {  	v25 =	vld [tilespmem:s8+$0x10]  }
0x102: {  	v26 =	vld [tilespmem:s8+$0x20]  }
0x103: {  	v27 =	vld [tilespmem:s8+$0x30];
	v21 =	vsub.f32 v21, v22  }
0x104: {  	v23 =	vsub.f32 v23, v22  }
0x105: {  	v20 =	vsub.f32 v20, v22;
	v19 =	vsub.f32 v19, v22;
	v21 =	vmul.f32 v21, v18  }
0x106: {  	v24 =	vsub.f32 v24, v22;
	v25 =	vsub.f32 v25, v22;
	v23 =	vmul.f32 v23, v18  }
0x107: {  	v26 =	vsub.f32 v26, v22;
	v20 =	vmul.f32 v20, v18;
	v21 =	vmul.f32 v21, v3  }
0x108: {  	v22 =	vsub.f32 v27, v22;
	v19 =	vmul.f32 v19, v18;
	v23 =	vmul.f32 v23, v2  }
0x109: {  	v24 =	vmul.f32 v24, v18;
	v20 =	vmul.f32 v20, v4;
	v21 =	vadd.f32 v21, v11  }
0x10a: {  	v25 =	vmul.f32 v25, v18;
	v19 =	vmul.f32 v19, v5;
	v23 =	vadd.f32 v23, v10  }
0x10b: {  	v62 =	vmul.f32 v26, v18;
	v20 =	vadd.f32 v20, v12;
	[tilespmem:s8+$0xFFFFFFD0] =	vst v21;
	v21 =	vmul.f32 v24, v6  }
0x10c: {  	v22 =	vmul.f32 v22, v18;
	v63 =	vadd.f32 v19, v13;
	[tilespmem:s8+$0xFFFFFFC0] =	vst v23;
	v23 =	vmul.f32 v25, v7  }
0x10d: {  	s9 =	simm.s32 $0x1;
	v19 =	vmul.f32 v62, v8;
	[tilespmem:s8+$0xFFFFFFE0] =	vst v20;
	v20 =	vadd.f32 v21, v14  }
0x10e: {  	s10 =	simm.s32 $0x17040;
	v18 =	vmov s9;
	s9 =	simm.s32 $0x2;
	v22 =	vmul.f32 v22, v9;
	[tilespmem:s8+$0xFFFFFFF0] =	vst v63;
	v21 =	vadd.f32 v23, v15  }
.LBB2_7:
0x10f: {  	p1 =	sne.s32 s9, $0x7F;
	[tilespmem:s8+$0x0] =	vst v20;
	v19 =	vadd.f32 v19, v16;
	s10 =	sadd.s32 $0x80, s10  }
0x110: {  	v20 =	vld [tilespmem:s10+$0xFFFFFFF0];
	[tilespmem:s8+$0x10] =	vst v21;
	v21 =	vadd.f32 v22, v17  }
0x111: {  	v22 =	vld [tilespmem:s10+$0xFFFFFFE0];
	[tilespmem:s8+$0x20] =	vst v19  }
0x112: {  	v19 =	vld [tilespmem:s10+$0xFFFFFFD0];
	[tilespmem:s8+$0x30] =	vst v21;
	s8 =	smov.u32 s10  }
0x113: {  	v21 =	vld.idx.msk [tilespmem:v18+s29+$0x0], $0xffff  }
0x114: {  	v23 =	vld [tilespmem:s10+$0xFFFFFFC0]  }
0x115: {  	v18 =	vld.idx.msk [tilespmem:v18+s30+$0x0], $0xffff  }
0x116: {  	v24 =	vld [tilespmem:s10+$0x0]  }
0x117: {  	v25 =	vld [tilespmem:s10+$0x10]  }
0x118: {  	v26 =	vld [tilespmem:s10+$0x20]  }
0x119: {  	v19 =	vsub.f32 v19, v21;
	v23 =	vsub.f32 v23, v21;
	v27 =	vld [tilespmem:s10+$0x30]  }
0x11a: {  	v22 =	vsub.f32 v22, v21;
	v20 =	vsub.f32 v20, v21  }
0x11b: {  	v19 =	vmul.f32 v19, v18;
	v23 =	vmul.f32 v23, v18;
	v24 =	vsub.f32 v24, v21  }
0x11c: {  	v22 =	vmul.f32 v22, v18;
	v20 =	vmul.f32 v20, v18;
	v25 =	vsub.f32 v25, v21  }
0x11d: {  	v19 =	vmul.f32 v19, v3;
	v23 =	vmul.f32 v23, v2;
	v26 =	vsub.f32 v26, v21  }
0x11e: {  	v22 =	vmul.f32 v22, v4;
	v20 =	vmul.f32 v20, v5;
	v21 =	vsub.f32 v27, v21  }
0x11f: {  	v24 =	vmul.f32 v24, v18;
	v19 =	vadd.f32 v19, v11;
	v23 =	vadd.f32 v23, v10  }
.Ltmp2:
0x120: {  	v22 =	vadd.f32 v22, v12;
	v27 =	vadd.f32 v20, v13;
	v20 =	vmul.f32 v25, v18;
	(pc) =	sbr.rel @p1 .LBB2_7-.Ltmp2, $4  }
0x121: {  	[tilespmem:s10+$0xFFFFFFD0] =	vst v19;
	v19 =	vmul.f32 v24, v6;
	v24 =	vmul.f32 v26, v18  }
0x122: {  	v25 =	vmul.f32 v21, v18;
	[tilespmem:s10+$0xFFFFFFC0] =	vst v23;
	v23 =	vmul.f32 v20, v7  }
0x123: {  	[tilespmem:s10+$0xFFFFFFE0] =	vst v22;
	v20 =	vadd.f32 v19, v14;
	v19 =	vmul.f32 v24, v8  }
0x124: {  	v18 =	vmov s9;
	s9 =	sadd.s32 $0x1, s9;
	v22 =	vmul.f32 v25, v9;
	[tilespmem:s10+$0xFFFFFFF0] =	vst v27;
	v21 =	vadd.f32 v23, v15  }
0x125: {  	[tilespmem:s8+$0x0] =	vst v20;
	s9 =	sadd.s32 $0x80, s10  }
0x126: {  	v19 =	vadd.f32 v19, v16;
	v20 =	vld [tilespmem:s9+$0xFFFFFFF0]  }
0x127: {  	[tilespmem:s8+$0x10] =	vst v21;
	v58 =	vadd.f32 v22, v17;
	v23 =	vld [tilespmem:s9+$0xFFFFFFC0]  }
0x128: {  	v59 =	vld [tilespmem:s9+$0xFFFFFFE0];
	[tilespmem:s8+$0x20] =	vst v19  }
0x129: {  	v19 =	vld [tilespmem:s9+$0xFFFFFFD0];
	[tilespmem:s8+$0x30] =	vst v58  }
0x12a: {  	v21 =	vld.idx.msk [tilespmem:v18+s29+$0x0], $0xffff  }
0x12b: {  	v18 =	vld.idx.msk [tilespmem:v18+s30+$0x0], $0xffff  }
0x12c: {  	v24 =	vld [tilespmem:s9+$0x0]  }
0x12d: {  	v25 =	vld [tilespmem:s9+$0x10]  }
0x12e: {  	v26 =	vld [tilespmem:s9+$0x20]  }
0x12f: {  	v27 =	vld [tilespmem:s9+$0x30];
	v19 =	vsub.f32 v19, v21  }
0x130: {  	v23 =	vsub.f32 v23, v21;
	v22 =	vsub.f32 v59, v21  }
0x131: {  	v20 =	vsub.f32 v20, v21;
	v24 =	vsub.f32 v24, v21;
	v19 =	vmul.f32 v19, v18  }
0x132: {  	v25 =	vsub.f32 v25, v21;
	v23 =	vmul.f32 v23, v18;
	v22 =	vmul.f32 v22, v18  }
0x133: {  	v26 =	vsub.f32 v26, v21;
	v20 =	vmul.f32 v20, v18;
	v19 =	vmul.f32 v19, v3  }
0x134: {  	v21 =	vsub.f32 v27, v21;
	v24 =	vmul.f32 v24, v18;
	v23 =	vmul.f32 v23, v2  }
0x135: {  	v25 =	vmul.f32 v25, v18;
	v22 =	vmul.f32 v22, v4;
	v19 =	vadd.f32 v19, v11  }
0x136: {  	v60 =	vmul.f32 v26, v18;
	v20 =	vmul.f32 v20, v5;
	v23 =	vadd.f32 v23, v10  }
0x137: {  	v18 =	vmul.f32 v21, v18;
	v61 =	vmul.f32 v25, v7;
	v22 =	vadd.f32 v22, v12;
	[tilespmem:s9+$0xFFFFFFD0] =	vst v19  }
0x138: {  	v20 =	vadd.f32 v20, v13;
	v19 =	vmul.f32 v24, v6;
	[tilespmem:s9+$0xFFFFFFC0] =	vst v23  }
0x139: {  	v18 =	vmul.f32 v18, v9;
	v63 =	vadd.f32 v61, v15;
	[tilespmem:s9+$0xFFFFFFE0] =	vst v22  }
0x13a: {  	p1 =	sne.s32 s19, $0x18;
	v62 =	vmul.f32 v60, v8;
	[tilespmem:s9+$0xFFFFFFF0] =	vst v20;
	v19 =	vadd.f32 v19, v14  }
.Ltmp3:
0x13b: {  	v18 =	vadd.f32 v18, v17;
	[tilespmem:s9+$0x10] =	vst v63;
	(pc) =	sbr.rel @p1 .LBB2_10-.Ltmp3, $4  }
0x13c: {  	[tilespmem:s9+$0x0] =	vst v19;
	v19 =	vadd.f32 v62, v16  }
0x13d: {  	s22 =	sshll.u32 s22, $0x4;
	[tilespmem:s9+$0x30] =	vst v18  }
0x13e: {  	s8 =	sadd.s32 s5, s22;
	[tilespmem:s9+$0x20] =	vst v19  }
0x13f: {  	[hbm4b:s8+s7] =	stream.linear.scatter [tilespmem:s28], [sflag:$0x3], $0x4000, $0x38;
	[tilespmem:$0x1F000] =	vst v63  }
.Ltmp4:
0x140: {  	(pc) =	sbr.rel .LBB2_11-.Ltmp4, $4  }
0x141: {  	_ = 	snop  }
0x142: {  	_ =	swait.ge [sflag:s31], $0x4000  }
0x143: {  	[sflag:s31] =	ssyncset.done $0x0  }
0x144: {  	[sflag:s31] =	ssyncadd.s32 $0xFFFFC000  }
.LBB2_10:
0x145: {  	s8 =	sand.u32 $0x3FFFFF00, s21  }
.Ltmp5:
0x146: {  	s8 =	sadd.s32 $0xD700, s8;
	(pc) =	sbr.rel @p0 .LBB2_12-.Ltmp5, $4  }
0x147: {  	[tilespmem:s24], [sflag:$0x1] =	stream.indirect.gather [hbm4b:s1+s23], $0x80, s8, s23, $0xb8;
	[tilespmem:$0x1F000] =	vst v63  }
0x148: {  	_ =	swait.ge [sflag:s31], $0x4000  }
0x149: {  	[sflag:s31] =	ssyncset.done $0x0  }
0x14a: {  	[sflag:s31] =	ssyncadd.s32 $0xFFFFC000  }
.LBB2_11:
0x14b: {  	_ =	swait.ge [sflag:s3], $0x4000  }
0x14c: {  	[sflag:s3] =	ssyncset.done $0x0  }
0x14d: {  	[sflag:s3] =	ssyncadd.s32 $0xFFFFC000  }
.LBB2_12:
0x14e: {  	s21 =	sadd.s32 s6, s20;
	s9 =	sadd.s32 $0xBD00, s20  }
0x14f: {  	s8 =	simm.s32 $0x0;
	v18 =	vor.u32 s21, v0;
	v19 =	vmov s9;
	s9 =	simm.s32 $0x0  }
.LBB2_13:
0x150: {  	_ =	sdelay $0x2  }
0x151: {  	s10 =	sshll.u32 s9, $0x4  }
0x152: {  	v23 =	vld.idx.msk [tilespmem:v19+s10+$0x0 ss:$0x1], $0xffff;
	v20 =	vor.u32 s10, v18  }
0x153: {  	v21 =	vmulhi.u32 $0x51EB851F, v20;
	_ =	sdelay $0x1  }
0x154: {  	v21 =	vshrl.u32 v21, $0x6  }
0x155: {  	v21 =	vmul.u32 $0xC8, v21  }
0x156: {  	v26 =	vadd.s32 s8, v0;
	v22 =	vshll.u32 v23, $0x7  }
0x157: {  	v27 =	vand.u32 $0x3F, v26;
	v21 =	vsub.s32 v20, v21;
	v20 =	vand.u32 $0x3F80, v22  }
0x158: {  	v22 =	vshrl.u32 v23, $0x6;
	v23 =	vand.u32 $0x1F80, v23;
	v25 =	vor.u32 v20, v27  }
0x159: {  	v21 =	vshll.u32 v21, $0x7;
	v30 =	vor.u32 v23, v27  }
0x15a: {  	v22 =	vand.u32 $0x3FFFF80, v22;
	v28 =	vor.u32 v21, v27  }
0x15b: {  	v24 =	vmov s10;
	v29 =	vor.u32 v22, v27  }
0x15c: {  	v24 =	vshll.u32 v24, $0x7  }
0x15d: {  	v24 =	vor.u32 v1, v24;
	v31 =	vld.idx.msk [tilespmem:v25+s7+$0x0], $0xffff  }
0x15e: {  	v27 =	vor.u32 v24, v27;
	v25 =	vor.u32 $0x40, v24;
	v30 =	vld.idx.msk [tilespmem:v30+s16+$0x0], $0xffff  }
0x15f: {  	v28 =	vld.idx.msk [tilespmem:v28+s18+$0x0], $0xffff;
	v26 =	vor.u32 v26, v25  }
0x160: {  	v29 =	vld.idx.msk [tilespmem:v29+s17+$0x0], $0xffff;
	_ =	sdelay $0x2  }
0x161: {  	v32 =	vld.idx.msk [tilespmem:v27+s25+$0x0], $0xffff;
	v33 =	vshll.u32 v31, $0x10  }
0x162: {  	v37 =	vshll.u32 v30, $0x10;
	v31 =	vand.u32 $0xFFFF0000, v31;
	v30 =	vand.u32 $0xFFFF0000, v30;
	v34 =	vld.idx.msk [tilespmem:v26+s25+$0x0], $0xffff  }
0x163: {  	v35 =	vshll.u32 v28, $0x10;
	v28 =	vand.u32 $0xFFFF0000, v28;
	v36 =	vshll.u32 v29, $0x10  }
0x164: {  	s11 =	simm.s32 $0x1;
	v29 =	vand.u32 $0xFFFF0000, v29;
	v33 =	vadd.f32 v37, v33;
	v35 =	vadd.f32 v35, v36  }
0x165: {  	v28 =	vadd.f32 v28, v29;
	v29 =	vadd.f32 v30, v31;
	v30 =	vadd.s32 s11, v0  }
0x166: {  	v32 =	vmul.f32 $1.131370830e+01, v32;
	v30 =	vand.u32 $0x3F, v30;
	v31 =	vadd.f32 v35, v33  }
0x167: {  	v28 =	vadd.f32 v28, v29;
	v38 =	vor.u32 v23, v30;
	v29 =	vmul.f32 $1.131370830e+01, v34  }
0x168: {  	v39 =	vor.u32 v21, v30;
	v31 =	vadd.f32 v31, v32  }
0x169: {  	v28 =	vadd.f32 v28, v29;
	v29 =	vor.u32 v20, v30  }
0x16a: {  	[tilespmem:v27+s0+$0x0] =	vst.idx.msk $0xffff, v31;
	v27 =	vor.u32 v22, v30  }
0x16b: {  	[tilespmem:v26+s0+$0x0] =	vst.idx.msk $0xffff, v28  }
0x16c: {  	v26 =	vld.idx.msk [tilespmem:v38+s16+$0x0], $0xffff  }
0x16d: {  	v40 =	vor.u32 v24, v30;
	v32 =	vld.idx.msk [tilespmem:v39+s18+$0x0], $0xffff  }
0x16e: {  	v30 =	vor.u32 v30, v25;
	v29 =	vld.idx.msk [tilespmem:v29+s7+$0x0], $0xffff  }
0x16f: {  	v27 =	vld.idx.msk [tilespmem:v27+s17+$0x0], $0xffff;
	_ =	sdelay $0x2  }
0x170: {  	v41 =	vld.idx.msk [tilespmem:v40+s25+$0x0], $0xffff;
	v42 =	vshll.u32 v26, $0x10  }
0x171: {  	v43 =	vld.idx.msk [tilespmem:v30+s25+$0x0], $0xffff;
	v44 =	vand.u32 $0xFFFF0000, v32;
	v32 =	vshll.u32 v32, $0x10;
	v26 =	vand.u32 $0xFFFF0000, v26  }
0x172: {  	v38 =	vshll.u32 v29, $0x10;
	v29 =	vand.u32 $0xFFFF0000, v29;
	v45 =	vshll.u32 v27, $0x10  }
0x173: {  	s20 =	simm.s32 $0x2;
	v27 =	vand.u32 $0xFFFF0000, v27;
	v35 =	vadd.f32 v42, v38;
	v32 =	vadd.f32 v32, v45  }
0x174: {  	v27 =	vadd.f32 v44, v27;
	v26 =	vadd.f32 v26, v29;
	v29 =	vadd.s32 s20, v0  }
0x175: {  	v34 =	vmul.f32 $1.131370830e+01, v41;
	v29 =	vand.u32 $0x3F, v29;
	v32 =	vadd.f32 v32, v35  }
0x176: {  	v26 =	vadd.f32 v27, v26;
	v27 =	vmul.f32 $1.131370830e+01, v43;
	v46 =	vor.u32 v21, v29  }
0x177: {  	v47 =	vor.u32 v23, v29;
	v32 =	vadd.f32 v32, v34  }
0x178: {  	v36 =	vadd.f32 v26, v27;
	v26 =	vor.u32 v22, v29  }
0x179: {  	v27 =	vor.u32 v20, v29;
	[tilespmem:v40+s0+$0x0] =	vst.idx.msk $0xffff, v32  }
0x17a: {  	[tilespmem:v30+s0+$0x0] =	vst.idx.msk $0xffff, v36  }
0x17b: {  	v30 =	vld.idx.msk [tilespmem:v46+s18+$0x0], $0xffff  }
0x17c: {  	v48 =	vor.u32 v24, v29;
	v33 =	vld.idx.msk [tilespmem:v47+s16+$0x0], $0xffff  }
0x17d: {  	v29 =	vor.u32 v29, v25;
	v49 =	vld.idx.msk [tilespmem:v26+s17+$0x0], $0xffff  }
0x17e: {  	v27 =	vld.idx.msk [tilespmem:v27+s7+$0x0], $0xffff  }
0x17f: {  	s22 =	simm.s32 $0x3;
	v50 =	vmul.f32 v31, v31;
	v51 =	vmul.f32 v28, v28  }
0x180: {  	v54 =	vadd.s32 s22, v0  }
0x181: {  	v28 =	vadd.f32 v28, v31;
	v31 =	vadd.f32 v51, v50;
	v52 =	vld.idx.msk [tilespmem:v48+s25+$0x0], $0xffff;
	v53 =	vshll.u32 v33, $0x10  }
0x182: {  	v39 =	vld.idx.msk [tilespmem:v29+s25+$0x0], $0xffff;
	v33 =	vand.u32 $0xFFFF0000, v33;
	v40 =	vand.u32 $0xFFFF0000, v30;
	v30 =	vshll.u32 v30, $0x10  }
0x183: {  	v41 =	vshll.u32 v49, $0x10;
	v35 =	vand.u32 $0xFFFF0000, v49;
	v42 =	vshll.u32 v27, $0x10  }
0x184: {  	v27 =	vand.u32 $0xFFFF0000, v27;
	v30 =	vadd.f32 v30, v41;
	v38 =	vadd.f32 v53, v42  }
0x185: {  	v26 =	vimm.f32 $0.0e+00;
	v35 =	vadd.f32 v40, v35;
	v27 =	vadd.f32 v33, v27  }
0x186: {  	v37 =	vmul.f32 $1.131370830e+01, v52;
	v33 =	vand.u32 $0x3F, v54;
	v30 =	vadd.f32 v30, v38  }
0x187: {  	v55 =	vmul.f32 $1.131370830e+01, v39;
	v56 =	vor.u32 v23, v33;
	v35 =	vadd.f32 v35, v27  }
0x188: {  	v57 =	vor.u32 v21, v33;
	v27 =	vadd.f32 v28, v26;
	v30 =	vadd.f32 v30, v37  }
0x189: {  	v58 =	vor.u32 v20, v33;
	v28 =	vadd.f32 v31, v26;
	v31 =	vadd.f32 v35, v55  }
0x18a: {  	v60 =	vor.u32 v22, v33;
	[tilespmem:v48+s0+$0x0] =	vst.idx.msk $0xffff, v30  }
0x18b: {  	[tilespmem:v29+s0+$0x0] =	vst.idx.msk $0xffff, v31  }
0x18c: {  	v59 =	vmul.f32 v32, v32;
	v34 =	vor.u32 v24, v33;
	v62 =	vld.idx.msk [tilespmem:v56+s16+$0x0], $0xffff  }
0x18d: {  	v61 =	vmul.f32 v36, v36;
	v32 =	vadd.f32 v36, v32;
	v35 =	vor.u32 v33, v25;
	v36 =	vld.idx.msk [tilespmem:v57+s18+$0x0], $0xffff  }
0x18e: {  	v43 =	vmul.f32 v31, v31;
	v29 =	vmul.f32 v30, v30;
	v39 =	vld.idx.msk [tilespmem:v58+s7+$0x0], $0xffff  }
0x18f: {  	v38 =	vadd.f32 v61, v59;
	v30 =	vadd.f32 v31, v30;
	v40 =	vld.idx.msk [tilespmem:v60+s17+$0x0], $0xffff  }
0x190: {  	v32 =	vadd.f32 v32, v26;
	v63 =	vadd.f32 v43, v29  }
0x191: {  	v33 =	vimm.f32 $0.0e+00;
	v37 =	vld.idx.msk [tilespmem:v34+s25+$0x0], $0xffff;
	v29 =	vadd.f32 v38, v26;
	v31 =	vadd.f32 v30, v26  }
0x192: {  	s11 =	simm.s32 $0x4;
	v38 =	vld.idx.msk [tilespmem:v35+s25+$0x0], $0xffff;
	v30 =	vadd.f32 v63, v26;
	v42 =	vshll.u32 v62, $0x10;
	v41 =	vand.u32 $0xFFFF0000, v62  }
.LBB2_14:
0x193: {  	p0 =	sne.s32 s11, $0x3C;
	v43 =	vand.u32 $0xFFFF0000, v39;
	v44 =	vand.u32 $0xFFFF0000, v36;
	s12 =	smov.u32 s11;
	s11 =	sadd.s32 $0x4, s11  }
0x194: {  	v39 =	vshll.u32 v39, $0x10;
	v45 =	vshll.u32 v40, $0x10;
	v40 =	vand.u32 $0xFFFF0000, v40  }
0x195: {  	v36 =	vshll.u32 v36, $0x10;
	v39 =	vadd.f32 v42, v39;
	v41 =	vadd.f32 v41, v43  }
0x196: {  	v36 =	vadd.f32 v36, v45;
	v40 =	vadd.f32 v44, v40  }
0x197: {  	v42 =	vadd.s32 s12, v0;
	v37 =	vmul.f32 $1.131370830e+01, v37;
	v38 =	vmul.f32 $1.131370830e+01, v38  }
0x198: {  	v43 =	vand.u32 $0x3F, v42;
	v36 =	vadd.f32 v36, v39;
	v39 =	vadd.f32 v40, v41  }
0x199: {  	v40 =	vor.u32 v20, v43;
	v41 =	vor.u32 v23, v43  }
0x19a: {  	v44 =	vor.u32 v21, v43;
	v36 =	vadd.f32 v36, v37;
	v37 =	vadd.f32 v39, v38  }
0x19b: {  	v38 =	vor.u32 v22, v43  }
0x19c: {  	v39 =	vmul.f32 v37, v37;
	[tilespmem:v34+s0+$0x0] =	vst.idx.msk $0xffff, v36;
	v34 =	vmul.f32 v36, v36  }
0x19d: {  	[tilespmem:v35+s0+$0x0] =	vst.idx.msk $0xffff, v37;
	v35 =	vadd.f32 v37, v36  }
0x19e: {  	v36 =	vld.idx.msk [tilespmem:v40+s7+$0x0], $0xffff;
	v34 =	vadd.f32 v39, v34  }
0x19f: {  	v39 =	vor.u32 v24, v43;
	v37 =	vld.idx.msk [tilespmem:v44+s18+$0x0], $0xffff;
	v26 =	vadd.f32 v35, v26  }
0x1a0: {  	v35 =	vld.idx.msk [tilespmem:v38+s17+$0x0], $0xffff;
	v38 =	vor.u32 v42, v25;
	v33 =	vadd.f32 v34, v33  }
0x1a1: {  	v34 =	vld.idx.msk [tilespmem:v41+s16+$0x0], $0xffff;
	_ =	sdelay $0x2  }
0x1a2: {  	v41 =	vshll.u32 v36, $0x10;
	v40 =	vld.idx.msk [tilespmem:v39+s25+$0x0], $0xffff  }
0x1a3: {  	v43 =	vshll.u32 v37, $0x10;
	v37 =	vand.u32 $0xFFFF0000, v37;
	v42 =	vld.idx.msk [tilespmem:v38+s25+$0x0], $0xffff  }
0x1a4: {  	v44 =	vshll.u32 v35, $0x10;
	v35 =	vand.u32 $0xFFFF0000, v35  }
0x1a5: {  	v45 =	vshll.u32 v34, $0x10;
	v43 =	vadd.f32 v43, v44;
	v35 =	vadd.f32 v37, v35  }
0x1a6: {  	s13 =	sadd.s32 $0x1, s12;
	v36 =	vand.u32 $0xFFFF0000, v36;
	v34 =	vand.u32 $0xFFFF0000, v34;
	v37 =	vadd.f32 v45, v41  }
0x1a7: {  	v34 =	vadd.f32 v34, v36;
	v36 =	vadd.s32 s13, v0  }
0x1a8: {  	v36 =	vand.u32 $0x3F, v36;
	v37 =	vadd.f32 v43, v37;
	v40 =	vmul.f32 $1.131370830e+01, v40  }
0x1a9: {  	v34 =	vadd.f32 v35, v34;
	v41 =	vor.u32 v23, v36;
	v35 =	vmul.f32 $1.131370830e+01, v42  }
0x1aa: {  	v37 =	vadd.f32 v37, v40;
	v40 =	vor.u32 v21, v36  }
0x1ab: {  	v34 =	vadd.f32 v34, v35;
	v35 =	vor.u32 v20, v36  }
0x1ac: {  	[tilespmem:v39+s0+$0x0] =	vst.idx.msk $0xffff, v37;
	v39 =	vor.u32 v22, v36  }
0x1ad: {  	v42 =	vmul.f32 v34, v34;
	[tilespmem:v38+s0+$0x0] =	vst.idx.msk $0xffff, v34;
	v38 =	vmul.f32 v37, v37  }
0x1ae: {  	v34 =	vadd.f32 v34, v37;
	v37 =	vld.idx.msk [tilespmem:v41+s16+$0x0], $0xffff  }
0x1af: {  	v41 =	vor.u32 v24, v36;
	v38 =	vadd.f32 v42, v38;
	v40 =	vld.idx.msk [tilespmem:v40+s18+$0x0], $0xffff  }
0x1b0: {  	v27 =	vadd.f32 v34, v27;
	v34 =	vld.idx.msk [tilespmem:v35+s7+$0x0], $0xffff;
	v35 =	vor.u32 v36, v25  }
0x1b1: {  	v28 =	vadd.f32 v38, v28;
	v36 =	vld.idx.msk [tilespmem:v39+s17+$0x0], $0xffff;
	_ =	sdelay $0x2  }
0x1b2: {  	v38 =	vld.idx.msk [tilespmem:v41+s25+$0x0], $0xffff  }
0x1b3: {  	v42 =	vshll.u32 v37, $0x10;
	v43 =	vand.u32 $0xFFFF0000, v40;
	v39 =	vld.idx.msk [tilespmem:v35+s25+$0x0], $0xffff  }
0x1b4: {  	v40 =	vshll.u32 v40, $0x10;
	v44 =	vshll.u32 v34, $0x10;
	v34 =	vand.u32 $0xFFFF0000, v34  }
0x1b5: {  	v42 =	vadd.f32 v42, v44;
	v44 =	vshll.u32 v36, $0x10;
	v36 =	vand.u32 $0xFFFF0000, v36  }
0x1b6: {  	s13 =	sadd.s32 $0x2, s12;
	v37 =	vand.u32 $0xFFFF0000, v37;
	v40 =	vadd.f32 v40, v44;
	v36 =	vadd.f32 v43, v36  }
0x1b7: {  	v34 =	vadd.f32 v37, v34;
	v37 =	vadd.s32 s13, v0  }
0x1b8: {  	v37 =	vand.u32 $0x3F, v37;
	v40 =	vadd.f32 v40, v42;
	v38 =	vmul.f32 $1.131370830e+01, v38  }
0x1b9: {  	v34 =	vadd.f32 v36, v34;
	v36 =	vmul.f32 $1.131370830e+01, v39;
	v39 =	vor.u32 v21, v37  }
0x1ba: {  	v38 =	vadd.f32 v40, v38;
	v40 =	vor.u32 v23, v37  }
0x1bb: {  	v34 =	vadd.f32 v34, v36;
	v36 =	vor.u32 v22, v37  }
0x1bc: {  	[tilespmem:v41+s0+$0x0] =	vst.idx.msk $0xffff, v38;
	v41 =	vor.u32 v20, v37  }
0x1bd: {  	v42 =	vmul.f32 v34, v34;
	[tilespmem:v35+s0+$0x0] =	vst.idx.msk $0xffff, v34;
	v35 =	vmul.f32 v38, v38  }
0x1be: {  	v34 =	vadd.f32 v34, v38;
	v38 =	vld.idx.msk [tilespmem:v39+s18+$0x0], $0xffff  }
0x1bf: {  	v35 =	vadd.f32 v42, v35;
	v39 =	vld.idx.msk [tilespmem:v40+s16+$0x0], $0xffff;
	v40 =	vor.u32 v24, v37  }
0x1c0: {  	v32 =	vadd.f32 v34, v32;
	v34 =	vld.idx.msk [tilespmem:v36+s17+$0x0], $0xffff;
	v36 =	vor.u32 v37, v25  }
0x1c1: {  	v29 =	vadd.f32 v35, v29;
	v35 =	vld.idx.msk [tilespmem:v41+s7+$0x0], $0xffff;
	_ =	sdelay $0x2  }
0x1c2: {  	v37 =	vld.idx.msk [tilespmem:v40+s25+$0x0], $0xffff  }
0x1c3: {  	v43 =	vand.u32 $0xFFFF0000, v38;
	v42 =	vshll.u32 v39, $0x10;
	v39 =	vand.u32 $0xFFFF0000, v39;
	v41 =	vld.idx.msk [tilespmem:v36+s25+$0x0], $0xffff  }
0x1c4: {  	v38 =	vshll.u32 v38, $0x10;
	v44 =	vshll.u32 v34, $0x10;
	v34 =	vand.u32 $0xFFFF0000, v34  }
0x1c5: {  	v45 =	vshll.u32 v35, $0x10;
	v38 =	vadd.f32 v38, v44;
	v34 =	vadd.f32 v43, v34  }
0x1c6: {  	s12 =	sadd.s32 $0x3, s12;
	v35 =	vand.u32 $0xFFFF0000, v35;
	v42 =	vadd.f32 v42, v45  }
0x1c7: {  	v35 =	vadd.f32 v39, v35;
	v39 =	vadd.s32 s12, v0  }
0x1c8: {  	v39 =	vand.u32 $0x3F, v39;
	v38 =	vadd.f32 v38, v42;
	v37 =	vmul.f32 $1.131370830e+01, v37  }
0x1c9: {  	v34 =	vadd.f32 v34, v35;
	v35 =	vmul.f32 $1.131370830e+01, v41;
	v41 =	vor.u32 v21, v39  }
0x1ca: {  	v37 =	vadd.f32 v38, v37;
	v38 =	vor.u32 v23, v39  }
0x1cb: {  	v42 =	vor.u32 v20, v39;
	v35 =	vadd.f32 v34, v35  }
0x1cc: {  	v34 =	vor.u32 v24, v39;
	[tilespmem:v40+s0+$0x0] =	vst.idx.msk $0xffff, v37;
	v40 =	vor.u32 v22, v39  }
0x1cd: {  	v43 =	vmul.f32 v37, v37;
	v44 =	vmul.f32 v35, v35;
	[tilespmem:v36+s0+$0x0] =	vst.idx.msk $0xffff, v35  }
0x1ce: {  	v37 =	vadd.f32 v35, v37;
	v35 =	vor.u32 v39, v25;
	v36 =	vld.idx.msk [tilespmem:v41+s18+$0x0], $0xffff  }
0x1cf: {  	v41 =	vadd.f32 v44, v43;
	v43 =	vld.idx.msk [tilespmem:v38+s16+$0x0], $0xffff  }
0x1d0: {  	v31 =	vadd.f32 v37, v31;
	v39 =	vld.idx.msk [tilespmem:v42+s7+$0x0], $0xffff  }
.Ltmp6:
0x1d1: {  	v30 =	vadd.f32 v41, v30;
	v40 =	vld.idx.msk [tilespmem:v40+s17+$0x0], $0xffff;
	(pc) =	sbr.rel @p0 .LBB2_14-.Ltmp6, $3  }
0x1d2: {  	v37 =	vld.idx.msk [tilespmem:v34+s25+$0x0], $0xffff  }
0x1d3: {  	v38 =	vld.idx.msk [tilespmem:v35+s25+$0x0], $0xffff;
	_ =	sdelay $0x1  }
0x1d4: {  	v42 =	vshll.u32 v43, $0x10;
	v41 =	vand.u32 $0xFFFF0000, v43  }
0x1d5: {  	v20 =	vand.u32 $0xFFFF0000, v39;
	v21 =	vand.u32 $0xFFFF0000, v36  }
0x1d6: {  	v22 =	vshll.u32 v39, $0x10;
	v23 =	vshll.u32 v40, $0x10;
	v24 =	vand.u32 $0xFFFF0000, v40  }
0x1d7: {  	v25 =	vshll.u32 v36, $0x10;
	v22 =	vadd.f32 v42, v22;
	v20 =	vadd.f32 v41, v20  }
0x1d8: {  	v23 =	vadd.f32 v25, v23;
	v21 =	vadd.f32 v21, v24  }
0x1d9: {  	v54 =	vmul.f32 $1.131370830e+01, v37  }
0x1da: {  	v55 =	vmul.f32 $1.131370830e+01, v38;
	v22 =	vadd.f32 v23, v22;
	v20 =	vadd.f32 v21, v20;
	_ =	sdelay $0x1  }
0x1db: {  	v56 =	vadd.f32 v22, v54;
	v20 =	vadd.f32 v20, v55  }
0x1dc: {  	v58 =	vadd.f32 v32, v27  }
0x1dd: {  	v22 =	vmul.f32 v56, v56;
	v57 =	vmul.f32 v20, v20;
	v24 =	vadd.f32 v20, v56  }
0x1de: {  	v60 =	vadd.f32 v29, v28;
	v25 =	vadd.f32 v31, v58  }
0x1df: {  	v22 =	vadd.f32 v57, v22;
	v59 =	vadd.f32 v24, v26  }
0x1e0: {  	v24 =	vadd.f32 v30, v60  }
0x1e1: {  	v22 =	vadd.f32 v22, v33;
	v23 =	vadd.f32 v59, v25;
	_ =	sdelay $0x1  }
0x1e2: {  	v22 =	vadd.f32 v22, v24;
	v23 =	vmul.f32 $7.812500000e-03, v23;
	_ =	sdelay $0x1  }
0x1e3: {  	v22 =	vmul.f32 $7.812500000e-03, v22;
	v61 =	vmul.f32 v23, v23;
	_ =	sdelay $0x1  }
0x1e4: {  	v22 =	vsub.f32 v22, v61;
	_ =	sdelay $0x1  }
0x1e5: {  	v22 =	vadd.f32 $9.999999960e-13, v22;
	_ =	sdelay $0x1  }
0x1e6: {  	v62 =	vshrl.u32 v22, $0x1;
	v22 =	vmul.f32 $5.000000000e-01, v22  }
0x1e7: {  	v24 =	vsub.s32 $0x5F3759DF, v62  }
0x1e8: {  	v63 =	vmul.f32 v24, v22;
	_ =	sdelay $0x1  }
0x1e9: {  	v25 =	vmul.f32 v24, v63;
	_ =	sdelay $0x1  }
0x1ea: {  	v25 =	vsub.f32 $1.500000000e+00, v25;
	_ =	sdelay $0x1  }
0x1eb: {  	v24 =	vmul.f32 v24, v25;
	_ =	sdelay $0x1  }
0x1ec: {  	v25 =	vmul.f32 v24, v22;
	_ =	sdelay $0x1  }
0x1ed: {  	v25 =	vmul.f32 v25, v24;
	_ =	sdelay $0x1  }
0x1ee: {  	v25 =	vsub.f32 $1.500000000e+00, v25;
	_ =	sdelay $0x1  }
0x1ef: {  	v24 =	vmul.f32 v25, v24;
	_ =	sdelay $0x1  }
0x1f0: {  	v22 =	vmul.f32 v24, v22;
	_ =	sdelay $0x1  }
0x1f1: {  	s9 =	sadd.s32 $0x1, s9;
	v22 =	vmul.f32 v22, v24  }
0x1f2: {  	p0 =	sne.s32 s9, $0x8  }
.Ltmp7:
0x1f3: {  	v22 =	vsub.f32 $1.500000000e+00, v22;
	(pc) =	sbr.rel @p0 .LBB2_13-.Ltmp7, $4  }
0x1f4: {  	[tilespmem:v34+s0+$0x0] =	vst.idx.msk $0xffff, v56  }
0x1f5: {  	[tilespmem:v35+s0+$0x0] =	vst.idx.msk $0xffff, v20;
	v20 =	vmul.f32 v22, v24  }
0x1f6: {  	[tilespmem:s10+$0x16F00] =	vst v23  }
0x1f7: {  	[tilespmem:s10+$0x16F80] =	vst v20  }
0x1f8: {  	s8 =	simm.s32 $0x0  }
0x1f9: {  	v18 =	vmov s8;
	s8 =	simm.s32 $0x1B040  }
0x1fa: {  	v19 =	vld [tilespmem:s8+$0xFFFFFFF0]  }
0x1fb: {  	v20 =	vld [tilespmem:s8+$0xFFFFFFE0]  }
0x1fc: {  	v21 =	vld [tilespmem:s8+$0xFFFFFFD0]  }
0x1fd: {  	v23 =	vld [tilespmem:s8+$0xFFFFFFC0]  }
0x1fe: {  	v22 =	vld.idx.msk [tilespmem:v18+s29+$0x0], $0xffff  }
0x1ff: {  	v24 =	vld [tilespmem:s8+$0x0]  }
0x200: {  	v18 =	vld.idx.msk [tilespmem:v18+s30+$0x0], $0xffff  }
0x201: {  	v25 =	vld [tilespmem:s8+$0x10]  }
0x202: {  	v26 =	vld [tilespmem:s8+$0x20]  }
0x203: {  	v27 =	vld [tilespmem:s8+$0x30];
	v21 =	vsub.f32 v21, v22  }
0x204: {  	v23 =	vsub.f32 v23, v22  }
0x205: {  	v20 =	vsub.f32 v20, v22;
	v19 =	vsub.f32 v19, v22;
	v21 =	vmul.f32 v21, v18  }
0x206: {  	v24 =	vsub.f32 v24, v22;
	v25 =	vsub.f32 v25, v22;
	v23 =	vmul.f32 v23, v18  }
0x207: {  	v26 =	vsub.f32 v26, v22;
	v20 =	vmul.f32 v20, v18;
	v21 =	vmul.f32 v21, v3  }
0x208: {  	v22 =	vsub.f32 v27, v22;
	v19 =	vmul.f32 v19, v18;
	v23 =	vmul.f32 v23, v2  }
0x209: {  	v24 =	vmul.f32 v24, v18;
	v20 =	vmul.f32 v20, v4;
	v21 =	vadd.f32 v21, v11  }
0x20a: {  	v25 =	vmul.f32 v25, v18;
	v19 =	vmul.f32 v19, v5;
	v23 =	vadd.f32 v23, v10  }
0x20b: {  	v62 =	vmul.f32 v26, v18;
	v20 =	vadd.f32 v20, v12;
	[tilespmem:s8+$0xFFFFFFD0] =	vst v21;
	v21 =	vmul.f32 v24, v6  }
0x20c: {  	v22 =	vmul.f32 v22, v18;
	v63 =	vadd.f32 v19, v13;
	[tilespmem:s8+$0xFFFFFFC0] =	vst v23;
	v23 =	vmul.f32 v25, v7  }
0x20d: {  	s9 =	simm.s32 $0x1;
	v19 =	vmul.f32 v62, v8;
	[tilespmem:s8+$0xFFFFFFE0] =	vst v20;
	v20 =	vadd.f32 v21, v14  }
0x20e: {  	s10 =	simm.s32 $0x1B040;
	v18 =	vmov s9;
	s9 =	simm.s32 $0x2;
	v22 =	vmul.f32 v22, v9;
	[tilespmem:s8+$0xFFFFFFF0] =	vst v63;
	v21 =	vadd.f32 v23, v15  }
.LBB2_17:
0x20f: {  	p0 =	sne.s32 s9, $0x7F;
	[tilespmem:s8+$0x0] =	vst v20;
	v19 =	vadd.f32 v19, v16;
	s10 =	sadd.s32 $0x80, s10  }
0x210: {  	v20 =	vld [tilespmem:s10+$0xFFFFFFF0];
	[tilespmem:s8+$0x10] =	vst v21;
	v21 =	vadd.f32 v22, v17  }
0x211: {  	v22 =	vld [tilespmem:s10+$0xFFFFFFE0];
	[tilespmem:s8+$0x20] =	vst v19  }
0x212: {  	v19 =	vld [tilespmem:s10+$0xFFFFFFD0];
	[tilespmem:s8+$0x30] =	vst v21;
	s8 =	smov.u32 s10  }
0x213: {  	v21 =	vld.idx.msk [tilespmem:v18+s29+$0x0], $0xffff  }
0x214: {  	v23 =	vld [tilespmem:s10+$0xFFFFFFC0]  }
0x215: {  	v18 =	vld.idx.msk [tilespmem:v18+s30+$0x0], $0xffff  }
0x216: {  	v24 =	vld [tilespmem:s10+$0x0]  }
0x217: {  	v25 =	vld [tilespmem:s10+$0x10]  }
0x218: {  	v26 =	vld [tilespmem:s10+$0x20]  }
0x219: {  	v19 =	vsub.f32 v19, v21;
	v23 =	vsub.f32 v23, v21;
	v27 =	vld [tilespmem:s10+$0x30]  }
0x21a: {  	v22 =	vsub.f32 v22, v21;
	v20 =	vsub.f32 v20, v21  }
0x21b: {  	v19 =	vmul.f32 v19, v18;
	v23 =	vmul.f32 v23, v18;
	v24 =	vsub.f32 v24, v21  }
0x21c: {  	v22 =	vmul.f32 v22, v18;
	v20 =	vmul.f32 v20, v18;
	v25 =	vsub.f32 v25, v21  }
0x21d: {  	v19 =	vmul.f32 v19, v3;
	v23 =	vmul.f32 v23, v2;
	v26 =	vsub.f32 v26, v21  }
0x21e: {  	v22 =	vmul.f32 v22, v4;
	v20 =	vmul.f32 v20, v5;
	v21 =	vsub.f32 v27, v21  }
0x21f: {  	v24 =	vmul.f32 v24, v18;
	v19 =	vadd.f32 v19, v11;
	v23 =	vadd.f32 v23, v10  }
.Ltmp8:
0x220: {  	v22 =	vadd.f32 v22, v12;
	v27 =	vadd.f32 v20, v13;
	v20 =	vmul.f32 v25, v18;
	(pc) =	sbr.rel @p0 .LBB2_17-.Ltmp8, $4  }
0x221: {  	[tilespmem:s10+$0xFFFFFFD0] =	vst v19;
	v19 =	vmul.f32 v24, v6;
	v24 =	vmul.f32 v26, v18  }
0x222: {  	v25 =	vmul.f32 v21, v18;
	[tilespmem:s10+$0xFFFFFFC0] =	vst v23;
	v23 =	vmul.f32 v20, v7  }
0x223: {  	[tilespmem:s10+$0xFFFFFFE0] =	vst v22;
	v20 =	vadd.f32 v19, v14;
	v19 =	vmul.f32 v24, v8  }
0x224: {  	v18 =	vmov s9;
	s9 =	sadd.s32 $0x1, s9;
	v22 =	vmul.f32 v25, v9;
	[tilespmem:s10+$0xFFFFFFF0] =	vst v27;
	v21 =	vadd.f32 v23, v15  }
0x225: {  	[tilespmem:s8+$0x0] =	vst v20;
	s9 =	sadd.s32 $0x80, s10  }
0x226: {  	v19 =	vadd.f32 v19, v16;
	v20 =	vld [tilespmem:s9+$0xFFFFFFF0]  }
0x227: {  	[tilespmem:s8+$0x10] =	vst v21;
	v58 =	vadd.f32 v22, v17;
	v23 =	vld [tilespmem:s9+$0xFFFFFFC0]  }
0x228: {  	v59 =	vld [tilespmem:s9+$0xFFFFFFE0];
	[tilespmem:s8+$0x20] =	vst v19  }
0x229: {  	v19 =	vld [tilespmem:s9+$0xFFFFFFD0];
	[tilespmem:s8+$0x30] =	vst v58  }
0x22a: {  	v21 =	vld.idx.msk [tilespmem:v18+s29+$0x0], $0xffff  }
0x22b: {  	v18 =	vld.idx.msk [tilespmem:v18+s30+$0x0], $0xffff  }
0x22c: {  	v24 =	vld [tilespmem:s9+$0x0]  }
0x22d: {  	v25 =	vld [tilespmem:s9+$0x10]  }
0x22e: {  	v26 =	vld [tilespmem:s9+$0x20]  }
0x22f: {  	v27 =	vld [tilespmem:s9+$0x30];
	v19 =	vsub.f32 v19, v21  }
0x230: {  	v23 =	vsub.f32 v23, v21;
	v22 =	vsub.f32 v59, v21  }
0x231: {  	v20 =	vsub.f32 v20, v21;
	v24 =	vsub.f32 v24, v21;
	v19 =	vmul.f32 v19, v18  }
0x232: {  	v25 =	vsub.f32 v25, v21;
	v23 =	vmul.f32 v23, v18;
	v22 =	vmul.f32 v22, v18  }
0x233: {  	v26 =	vsub.f32 v26, v21;
	v20 =	vmul.f32 v20, v18;
	v19 =	vmul.f32 v19, v3  }
0x234: {  	v21 =	vsub.f32 v27, v21;
	v24 =	vmul.f32 v24, v18;
	v23 =	vmul.f32 v23, v2  }
0x235: {  	v25 =	vmul.f32 v25, v18;
	v22 =	vmul.f32 v22, v4;
	v19 =	vadd.f32 v19, v11  }
0x236: {  	v60 =	vmul.f32 v26, v18;
	v20 =	vmul.f32 v20, v5;
	v23 =	vadd.f32 v23, v10  }
0x237: {  	v18 =	vmul.f32 v21, v18;
	v61 =	vmul.f32 v25, v7;
	v22 =	vadd.f32 v22, v12;
	[tilespmem:s9+$0xFFFFFFD0] =	vst v19  }
0x238: {  	v20 =	vadd.f32 v20, v13;
	v19 =	vmul.f32 v24, v6;
	[tilespmem:s9+$0xFFFFFFC0] =	vst v23  }
0x239: {  	s19 =	sadd.s32 $0x1, s19;
	v18 =	vmul.f32 v18, v9;
	v63 =	vadd.f32 v61, v15;
	[tilespmem:s9+$0xFFFFFFE0] =	vst v22  }
0x23a: {  	p0 =	sne.s32 s19, $0x19;
	v62 =	vmul.f32 v60, v8;
	[tilespmem:s9+$0xFFFFFFF0] =	vst v20;
	v19 =	vadd.f32 v19, v14  }
.Ltmp9:
0x23b: {  	v18 =	vadd.f32 v18, v17;
	[tilespmem:s9+$0x10] =	vst v63;
	(pc) =	sbr.rel @p0 .LBB2_2-.Ltmp9, $4  }
0x23c: {  	[tilespmem:s9+$0x0] =	vst v19;
	v19 =	vadd.f32 v62, v16  }
0x23d: {  	s22 =	sshll.u32 s21, $0x4;
	[tilespmem:s9+$0x30] =	vst v18  }
0x23e: {  	s8 =	sadd.s32 s5, s22;
	[tilespmem:s9+$0x20] =	vst v19  }
0x23f: {  	[hbm4b:s8+s7] =	stream.linear.scatter [tilespmem:s0], [sflag:$0x4], $0x4000, $0x38;
	[tilespmem:$0x1F000] =	vst v63  }
0x240: {  	s4 =	sadd.s32 $0x1, s4  }
0x241: {  	_ =	swait.ge [sflag:s2], $0x4000;
	p0 =	sne.s32 s4, s14  }
.Ltmp10:
0x242: {  	[sflag:s2] =	ssyncset.done $0x0;
	(pc) =	sbr.rel @p0 .LBB2_1-.Ltmp10, $4  }
0x243: {  	[sflag:s2] =	ssyncadd.s32 $0xFFFFC000  }
0x244: {  	_ =	swait.ge [sflag:s3], $0x4000  }
0x245: {  	[sflag:s3] =	ssyncset.done $0x0  }
0x246: {  	[sflag:s3] =	ssyncadd.s32 $0xFFFFC000  }
0x247: {  	_ =	sfence.sel $0x180000  }
0x248: {  	[bflag:$0x0] =	sbarrier.arrive $0xFFFF  }
0x249: {  	_ =	strace $0x90000047  }
0x24a: {  	s0 =	stileid.u32;
	[bflag:$0x2] =	sbarrier.arrive $0xFFFF  }
0x24b: {  	p0 =	sne.s32 s0, $0x0;
	s0 =	rddreg [dreg:$0x5]  }
0x24c: {  	s0 =	sadd.s32 @!p0 $0x100000, s0  }
0x24d: {  	[sflag:s0] =	ssyncadd.tile.s32 @!p0 $0x1;
	_ =	shalt  }
.Lfunc_end2:
_tile_overlayer_lowered:
.L_overlay_start_2:
0x24e: {  	(tag) =	ssettag $0x2  }
0x24f: {  	s0 =	rddreg [dreg:$0x0];
	s2 =	stileid.u32  }
0x250: {  	s1 =	rddreg [dreg:$0x1];
	p0 =	sne.s32 s2, $0x0  }
0x251: {  	s3 =	rddreg [dreg:$0x2];
	[bflag:$0x3] =	sbarrier.arrive $0xFFFF;
	s2 =	simm.s32 @!p0 $0x1C05  }
0x252: {  	[timem:s3], [sflag:s2] =	dma.local @!p0 [hbm:s0], s1  }
0x253: {  	s0 =	simm.s32 @!p0 $0x5  }
0x254: {  	_ =	swait.ge @!p0 [sflag:s0], s1  }
0x255: {  	s1 =	ssub.s32 @!p0 $0x0, s1;
	[sflag:s0] =	ssyncset.done @!p0 $0x0  }
0x256: {  	[sflag:s0] =	ssyncadd.s32 @!p0 s1  }
0x257: {  	[bflag:$0x3] =	sbarrier.arrive $0xFFFF  }
0x258: {  	_ =	shalt  }

</sc_bundles>
